<compile_context>
chip_gen: v7x
topology: tpu7x:2x2x1
jax: 0.10.2.dev20260603
libtpu: 0.0.44.dev20260713+nightly
codegen_flags: <defaults>
</compile_context>

<pallas_src>
import functools

import jax
import jax.numpy as jnp
from jax import lax
from jax.experimental import pallas as pl
from jax.experimental.pallas import tpu as pltpu
from jax.experimental.pallas import tpu_sc as plsc

NC = 2
NS = 16
NW = NC * NS


@functools.partial(jax.jit, static_argnums=(2, 3))
def _sc_embed(ids, table, chunk, nbuf):
    B, S = ids.shape
    D = table.shape[1]
    n_per_w = (B * S) // NW
    wpb = S // n_per_w
    n_chunks = n_per_w // chunk
    mesh = plsc.VectorSubcoreMesh(
        core_axis_name="c", subcore_axis_name="s",
        num_cores=NC, num_subcores=NS)

    @functools.partial(
        pl.kernel,
        out_type=jax.ShapeDtypeStruct((B, S, D), jnp.float32),
        mesh=mesh,
        scratch_types=[
            pltpu.VMEM((n_per_w,), jnp.int32),
            pltpu.VMEM((nbuf, chunk, D), jnp.float32),
            [pltpu.SemaphoreType.DMA] * nbuf,
            [pltpu.SemaphoreType.DMA] * nbuf,
        ],
    )
    def k(idx_hbm, table_hbm, out_hbm, idx_v, rows_v, gsems, ssems):
        wid = lax.axis_index("s") * NC + lax.axis_index("c")
        b = wid // wpb
        col = (wid % wpb) * n_per_w

        pltpu.sync_copy(idx_hbm.at[b, pl.ds(col, n_per_w)], idx_v)

        def gather(c):
            bf = c % nbuf
            return pltpu.async_copy(
                table_hbm.at[idx_v.at[pl.ds(c * chunk, chunk)]],
                rows_v.at[bf], gsems[bf])

        def scatter(c):
            bf = c % nbuf
            return pltpu.async_copy(
                rows_v.at[bf], out_hbm.at[b, pl.ds(col + c * chunk, chunk)],
                ssems[bf])

        depth = nbuf - 1
        gd = [None] * n_chunks
        sd = [None] * n_chunks
        for c in range(min(depth, n_chunks)):
            gd[c] = gather(c)
        for c in range(n_chunks):
            gd[c].wait()
            sd[c] = scatter(c)
            nxt = c + depth
            if nxt < n_chunks:
                if nxt >= nbuf:
                    sd[nxt - nbuf].wait()
                gd[nxt] = gather(nxt)
        for c in range(max(0, n_chunks - nbuf), n_chunks):
            sd[c].wait()

    return k(ids, table)


def kernel(inputs_id, embed_tokens_weight):
    return _sc_embed(inputs_id.astype(jnp.int32), embed_tokens_weight, 16, 6)

# --- scband reference (transcript-rebuilt; emitter-appended) ---
"""Pipeline reference for scband-embedding-model-38491496906887 (READ-ONLY COPY).

The authoritative reference and input builder live on the scoring server;
editing this copy changes nothing except your own understanding.
"""

import jax, jax.numpy as jnp
import numpy as np

VOCAB = 100000
D_MODEL = 1024
BATCH = 2
SEQ = 4096

def setup_inputs(seed: int = 0) -> dict:
    key = jax.random.key(seed)
    k1, k2 = jax.random.split(key)
    inputs_id = jax.random.randint(k1, (BATCH, SEQ), 0, VOCAB, dtype=jnp.int64) if jax.config.jax_enable_x64 else jax.random.randint(k1, (BATCH, SEQ), 0, VOCAB)
    embed_tokens_weight = jax.random.normal(k2, (VOCAB, D_MODEL), dtype=jnp.float32) * 0.02
    return {"inputs_id": inputs_id, "embed_tokens_weight": embed_tokens_weight}

def reference(inputs_id, embed_tokens_weight):
    # Faithful translation of: self.model.model.embed_tokens(inputs_id)
    # i.e., an nn.Embedding row-gather from the token embedding table.
    return jnp.take(embed_tokens_weight, inputs_id, axis=0)

if __name__ == "__main__":
    import jax
    _d = setup_inputs()
    print(jax.jit(kernel)(*tuple(_d.values())))

</pallas_src>

<mosaic_0001>
#map = affine_map<(d0, d1) -> (0, 0)>
#map1 = affine_map<(d0, d1) -> (0, 0, 0)>
module attributes {stable_mosaic.version = 14 : i64} {
  func.func @k(%arg0: i32, %arg1: i32, %arg2: memref<2x4096xi32, #tpu.memory_space<hbm>>, %arg3: memref<100000x1024xf32, #tpu.memory_space<hbm>>, %arg4: memref<2x4096x1024xf32, #tpu.memory_space<hbm>>, %arg5: memref<256xi32, #tpu.memory_space<vmem>>, %arg6: memref<6x16x1024xf32, #tpu.memory_space<vmem>>, %arg7: memref<!tpu.dma_semaphore, #tpu.memory_space<semaphore_mem>>, %arg8: memref<!tpu.dma_semaphore, #tpu.memory_space<semaphore_mem>>, %arg9: memref<!tpu.dma_semaphore, #tpu.memory_space<semaphore_mem>>, %arg10: memref<!tpu.dma_semaphore, #tpu.memory_space<semaphore_mem>>, %arg11: memref<!tpu.dma_semaphore, #tpu.memory_space<semaphore_mem>>, %arg12: memref<!tpu.dma_semaphore, #tpu.memory_space<semaphore_mem>>, %arg13: memref<!tpu.dma_semaphore, #tpu.memory_space<semaphore_mem>>, %arg14: memref<!tpu.dma_semaphore, #tpu.memory_space<semaphore_mem>>, %arg15: memref<!tpu.dma_semaphore, #tpu.memory_space<semaphore_mem>>, %arg16: memref<!tpu.dma_semaphore, #tpu.memory_space<semaphore_mem>>, %arg17: memref<!tpu.dma_semaphore, #tpu.memory_space<semaphore_mem>>, %arg18: memref<!tpu.dma_semaphore, #tpu.memory_space<semaphore_mem>>) attributes {dimension_semantics = [#tpu.dimension_semantics<core_parallel>, #tpu.dimension_semantics<subcore_parallel>], iteration_bounds = array<i64: 2, 16>, scalar_prefetch = 0 : i64, scratch_operands = 14 : i64, tpu.core_type = #tpu.core_type<sc_vector_subcore>, window_params = [{transform_indices = #map}, {transform_indices = #map}, {transform_indices = #map1}]} {
    %mul3A = arith.constant 2 : i32
    %mul3A_0 = arith.muli %arg1, %mul3A : i32
    %add3A = arith.addi %mul3A_0, %arg0 : i32
    %jit3A = arith.constant 16 : i32
    %div3A = arith.divsi %add3A, %jit3A : i32
    %sign3A = arith.constant 0 : i32
    %sign3A_1 = arith.cmpi sgt, %add3A, %sign3A : i32
    %sign3A_2 = arith.extui %sign3A_1 : i1 to i32
    %sign3A_3 = arith.constant 0 : i32
    %sign3A_4 = arith.cmpi slt, %add3A, %sign3A_3 : i32
    %sign3A_5 = arith.extui %sign3A_4 : i1 to i32
    %sign3A_6 = arith.subi %sign3A_2, %sign3A_5 : i32
    %sign3A_7 = arith.constant 0 : i32
    %sign3A_8 = arith.cmpi sgt, %jit3A, %sign3A_7 : i32
    %sign3A_9 = arith.extui %sign3A_8 : i1 to i32
    %sign3A_10 = arith.constant 0 : i32
    %sign3A_11 = arith.cmpi slt, %jit3A, %sign3A_10 : i32
    %sign3A_12 = arith.extui %sign3A_11 : i1 to i32
    %sign3A_13 = arith.subi %sign3A_9, %sign3A_12 : i32
    %ne3A = arith.cmpi ne, %sign3A_6, %sign3A_13 : i32
    %rem3A = arith.remsi %add3A, %jit3A : i32
    %ne3A_14 = arith.constant 0 : i32
    %ne3A_15 = arith.cmpi ne, %rem3A, %ne3A_14 : i32
    %and3A = arith.andi %ne3A, %ne3A_15 : i1
    %sub3A = arith.constant 1 : i32
    %sub3A_16 = arith.subi %div3A, %sub3A : i32
    %select_n3A = arith.select %and3A, %sub3A_16, %div3A : i32
    %jit3A_17 = arith.constant 16 : i32
    %eq3A = arith.constant 0 : i32
    %eq3A_18 = arith.cmpi eq, %jit3A_17, %eq3A : i32
    %jit3A_19 = arith.constant 1 : i32
    %select_n3A_20 = arith.select %eq3A_18, %jit3A_19, %jit3A_17 : i32
    %rem3A_21 = arith.remsi %add3A, %select_n3A_20 : i32
    %ne3A_22 = arith.constant 0 : i32
    %ne3A_23 = arith.cmpi ne, %rem3A_21, %ne3A_22 : i32
    %lt3A = arith.constant 0 : i32
    %lt3A_24 = arith.cmpi slt, %rem3A_21, %lt3A : i32
    %lt3A_25 = arith.constant 0 : i32
    %lt3A_26 = arith.cmpi slt, %select_n3A_20, %lt3A_25 : i32
    %ne3A_27 = arith.xori %lt3A_24, %lt3A_26 : i1
    %and3A_28 = arith.andi %ne3A_27, %ne3A_23 : i1
    %add3A_29 = arith.addi %rem3A_21, %select_n3A_20 : i32
    %select_n3A_30 = arith.select %and3A_28, %add3A_29, %rem3A_21 : i32
    %mul3A_31 = arith.constant 256 : i32
    %mul3A_32 = arith.muli %select_n3A_30, %mul3A_31 : i32
    "tpu.region"() ({
      %run_scoped3A = tpu.sem_alloc : memref<!tpu.dma_semaphore, #tpu.memory_space<semaphore_mem>>
      %dma_start3A_863 = tpu.memref_slice %arg2[%select_n3A, %mul3A_32] : memref<2x4096xi32, #tpu.memory_space<hbm>> -> memref<1x256xi32, #tpu.memory_space<hbm>>
      %dma_start3A_864 = tpu.memref_squeeze %dma_start3A_863 : memref<1x256xi32, #tpu.memory_space<hbm>> -> memref<256xi32, #tpu.memory_space<hbm>>
      %dma_start3A_865 = tpu.memref_slice %arg2[%select_n3A, %mul3A_32] : memref<2x4096xi32, #tpu.memory_space<hbm>> -> memref<1x256xi32, #tpu.memory_space<hbm>>
      %dma_start3A_866 = tpu.memref_squeeze %dma_start3A_865 : memref<1x256xi32, #tpu.memory_space<hbm>> -> memref<256xi32, #tpu.memory_space<hbm>>
      tpu.enqueue_dma source(%dma_start3A_866 : memref<256xi32, #tpu.memory_space<hbm>>) target(%arg5 : memref<256xi32, #tpu.memory_space<vmem>>) target_semaphore(%run_scoped3A : memref<!tpu.dma_semaphore, #tpu.memory_space<semaphore_mem>>)
      %dma_wait3A_867 = tpu.memref_slice %arg2[%select_n3A, %mul3A_32] : memref<2x4096xi32, #tpu.memory_space<hbm>> -> memref<1x256xi32, #tpu.memory_space<hbm>>
      %dma_wait3A_868 = tpu.memref_squeeze %dma_wait3A_867 : memref<1x256xi32, #tpu.memory_space<hbm>> -> memref<256xi32, #tpu.memory_space<hbm>>
      %dma_wait3A_869 = tpu.memref_slice %arg2[%select_n3A, %mul3A_32] : memref<2x4096xi32, #tpu.memory_space<hbm>> -> memref<1x256xi32, #tpu.memory_space<hbm>>
      %dma_wait3A_870 = tpu.memref_squeeze %dma_wait3A_869 : memref<1x256xi32, #tpu.memory_space<hbm>> -> memref<256xi32, #tpu.memory_space<hbm>>
      tpu.wait_dma2 semaphore(%run_scoped3A : memref<!tpu.dma_semaphore, #tpu.memory_space<semaphore_mem>>) src(%dma_wait3A_870 : memref<256xi32, #tpu.memory_space<hbm>>) dst(%arg5 : memref<256xi32, #tpu.memory_space<vmem>>)
      tpu.yield
    }) : () -> ()
    %dma_start3A = arith.constant 0 : i32
    %dma_start3A_33 = arith.constant 0 : i32
    %dma_start3A_34 = arith.constant 0 : i32
    %dma_start3A_35 = tpu.memref_slice %arg6[%dma_start3A, %dma_start3A_33, %dma_start3A_34] : memref<6x16x1024xf32, #tpu.memory_space<vmem>> -> memref<1x16x1024xf32, #tpu.memory_space<vmem>>
    %dma_start3A_36 = tpu.memref_squeeze %dma_start3A_35 : memref<1x16x1024xf32, #tpu.memory_space<vmem>> -> memref<16x1024xf32, #tpu.memory_space<vmem>>
    %dma_start3A_37 = arith.constant 0 : i32
    %dma_start3A_38 = tpu.memref_slice %arg5[%dma_start3A_37] : memref<256xi32, #tpu.memory_space<vmem>> -> memref<16xi32, #tpu.memory_space<vmem>>
    %dma_start3A_39 = arith.constant 0 : i32
    %dma_start3A_40 = arith.constant 0 : i32
    %dma_start3A_41 = tpu.memref_slice %arg3[%dma_start3A_39, %dma_start3A_40] : memref<100000x1024xf32, #tpu.memory_space<hbm>> -> memref<100000x1024xf32, #tpu.memory_space<hbm>>
    tpu.enqueue_indirect_dma source(%dma_start3A_41 : memref<100000x1024xf32, #tpu.memory_space<hbm>>) target(%dma_start3A_36 : memref<16x1024xf32, #tpu.memory_space<vmem>>) offsets(%dma_start3A_38 : memref<16xi32, #tpu.memory_space<vmem>>) semaphore(%arg7 : memref<!tpu.dma_semaphore, #tpu.memory_space<semaphore_mem>>)
    %dma_start3A_42 = arith.constant 1 : i32
    %dma_start3A_43 = arith.constant 0 : i32
    %dma_start3A_44 = arith.constant 0 : i32
    %dma_start3A_45 = tpu.memref_slice %arg6[%dma_start3A_42, %dma_start3A_43, %dma_start3A_44] : memref<6x16x1024xf32, #tpu.memory_space<vmem>> -> memref<1x16x1024xf32, #tpu.memory_space<vmem>>
    %dma_start3A_46 = tpu.memref_squeeze %dma_start3A_45 : memref<1x16x1024xf32, #tpu.memory_space<vmem>> -> memref<16x1024xf32, #tpu.memory_space<vmem>>
    %dma_start3A_47 = arith.constant 16 : i32
    %dma_start3A_48 = tpu.memref_slice %arg5[%dma_start3A_47] : memref<256xi32, #tpu.memory_space<vmem>> -> memref<16xi32, #tpu.memory_space<vmem>>
    %dma_start3A_49 = arith.constant 0 : i32
    %dma_start3A_50 = arith.constant 0 : i32
    %dma_start3A_51 = tpu.memref_slice %arg3[%dma_start3A_49, %dma_start3A_50] : memref<100000x1024xf32, #tpu.memory_space<hbm>> -> memref<100000x1024xf32, #tpu.memory_space<hbm>>
    tpu.enqueue_indirect_dma source(%dma_start3A_51 : memref<100000x1024xf32, #tpu.memory_space<hbm>>) target(%dma_start3A_46 : memref<16x1024xf32, #tpu.memory_space<vmem>>) offsets(%dma_start3A_48 : memref<16xi32, #tpu.memory_space<vmem>>) semaphore(%arg8 : memref<!tpu.dma_semaphore, #tpu.memory_space<semaphore_mem>>)
    %dma_start3A_52 = arith.constant 2 : i32
    %dma_start3A_53 = arith.constant 0 : i32
    %dma_start3A_54 = arith.constant 0 : i32
    %dma_start3A_55 = tpu.memref_slice %arg6[%dma_start3A_52, %dma_start3A_53, %dma_start3A_54] : memref<6x16x1024xf32, #tpu.memory_space<vmem>> -> memref<1x16x1024xf32, #tpu.memory_space<vmem>>
    %dma_start3A_56 = tpu.memref_squeeze %dma_start3A_55 : memref<1x16x1024xf32, #tpu.memory_space<vmem>> -> memref<16x1024xf32, #tpu.memory_space<vmem>>
    %dma_start3A_57 = arith.constant 32 : i32
    %dma_start3A_58 = tpu.memref_slice %arg5[%dma_start3A_57] : memref<256xi32, #tpu.memory_space<vmem>> -> memref<16xi32, #tpu.memory_space<vmem>>
    %dma_start3A_59 = arith.constant 0 : i32
    %dma_start3A_60 = arith.constant 0 : i32
    %dma_start3A_61 = tpu.memref_slice %arg3[%dma_start3A_59, %dma_start3A_60] : memref<100000x1024xf32, #tpu.memory_space<hbm>> -> memref<100000x1024xf32, #tpu.memory_space<hbm>>
    tpu.enqueue_indirect_dma source(%dma_start3A_61 : memref<100000x1024xf32, #tpu.memory_space<hbm>>) target(%dma_start3A_56 : memref<16x1024xf32, #tpu.memory_space<vmem>>) offsets(%dma_start3A_58 : memref<16xi32, #tpu.memory_space<vmem>>) semaphore(%arg9 : memref<!tpu.dma_semaphore, #tpu.memory_space<semaphore_mem>>)
    %dma_start3A_62 = arith.constant 3 : i32
    %dma_start3A_63 = arith.constant 0 : i32
    %dma_start3A_64 = arith.constant 0 : i32
    %dma_start3A_65 = tpu.memref_slice %arg6[%dma_start3A_62, %dma_start3A_63, %dma_start3A_64] : memref<6x16x1024xf32, #tpu.memory_space<vmem>> -> memref<1x16x1024xf32, #tpu.memory_space<vmem>>
    %dma_start3A_66 = tpu.memref_squeeze %dma_start3A_65 : memref<1x16x1024xf32, #tpu.memory_space<vmem>> -> memref<16x1024xf32, #tpu.memory_space<vmem>>
    %dma_start3A_67 = arith.constant 48 : i32
    %dma_start3A_68 = tpu.memref_slice %arg5[%dma_start3A_67] : memref<256xi32, #tpu.memory_space<vmem>> -> memref<16xi32, #tpu.memory_space<vmem>>
    %dma_start3A_69 = arith.constant 0 : i32
    %dma_start3A_70 = arith.constant 0 : i32
    %dma_start3A_71 = tpu.memref_slice %arg3[%dma_start3A_69, %dma_start3A_70] : memref<100000x1024xf32, #tpu.memory_space<hbm>> -> memref<100000x1024xf32, #tpu.memory_space<hbm>>
    tpu.enqueue_indirect_dma source(%dma_start3A_71 : memref<100000x1024xf32, #tpu.memory_space<hbm>>) target(%dma_start3A_66 : memref<16x1024xf32, #tpu.memory_space<vmem>>) offsets(%dma_start3A_68 : memref<16xi32, #tpu.memory_space<vmem>>) semaphore(%arg10 : memref<!tpu.dma_semaphore, #tpu.memory_space<semaphore_mem>>)
    %dma_start3A_72 = arith.constant 4 : i32
    %dma_start3A_73 = arith.constant 0 : i32
    %dma_start3A_74 = arith.constant 0 : i32
    %dma_start3A_75 = tpu.memref_slice %arg6[%dma_start3A_72, %dma_start3A_73, %dma_start3A_74] : memref<6x16x1024xf32, #tpu.memory_space<vmem>> -> memref<1x16x1024xf32, #tpu.memory_space<vmem>>
    %dma_start3A_76 = tpu.memref_squeeze %dma_start3A_75 : memref<1x16x1024xf32, #tpu.memory_space<vmem>> -> memref<16x1024xf32, #tpu.memory_space<vmem>>
    %dma_start3A_77 = arith.constant 64 : i32
    %dma_start3A_78 = tpu.memref_slice %arg5[%dma_start3A_77] : memref<256xi32, #tpu.memory_space<vmem>> -> memref<16xi32, #tpu.memory_space<vmem>>
    %dma_start3A_79 = arith.constant 0 : i32
    %dma_start3A_80 = arith.constant 0 : i32
    %dma_start3A_81 = tpu.memref_slice %arg3[%dma_start3A_79, %dma_start3A_80] : memref<100000x1024xf32, #tpu.memory_space<hbm>> -> memref<100000x1024xf32, #tpu.memory_space<hbm>>
    tpu.enqueue_indirect_dma source(%dma_start3A_81 : memref<100000x1024xf32, #tpu.memory_space<hbm>>) target(%dma_start3A_76 : memref<16x1024xf32, #tpu.memory_space<vmem>>) offsets(%dma_start3A_78 : memref<16xi32, #tpu.memory_space<vmem>>) semaphore(%arg11 : memref<!tpu.dma_semaphore, #tpu.memory_space<semaphore_mem>>)
    %dma_wait3A = arith.constant 0 : i32
    %dma_wait3A_82 = arith.constant 0 : i32
    %dma_wait3A_83 = arith.constant 0 : i32
    %dma_wait3A_84 = tpu.memref_slice %arg6[%dma_wait3A, %dma_wait3A_82, %dma_wait3A_83] : memref<6x16x1024xf32, #tpu.memory_space<vmem>> -> memref<1x16x1024xf32, #tpu.memory_space<vmem>>
    %dma_wait3A_85 = tpu.memref_squeeze %dma_wait3A_84 : memref<1x16x1024xf32, #tpu.memory_space<vmem>> -> memref<16x1024xf32, #tpu.memory_space<vmem>>
    %dma_wait3A_86 = arith.constant 0 : i32
    %dma_wait3A_87 = tpu.memref_slice %arg5[%dma_wait3A_86] : memref<256xi32, #tpu.memory_space<vmem>> -> memref<16xi32, #tpu.memory_space<vmem>>
    %dma_wait3A_88 = arith.constant 0 : i32
    %dma_wait3A_89 = arith.constant 0 : i32
    %dma_wait3A_90 = tpu.memref_slice %arg3[%dma_wait3A_88, %dma_wait3A_89] : memref<100000x1024xf32, #tpu.memory_space<hbm>> -> memref<100000x1024xf32, #tpu.memory_space<hbm>>
    tpu.wait_indirect_dma semaphore(%arg7 : memref<!tpu.dma_semaphore, #tpu.memory_space<semaphore_mem>>) src(%dma_wait3A_90 : memref<100000x1024xf32, #tpu.memory_space<hbm>>) dst(%dma_wait3A_85 : memref<16x1024xf32, #tpu.memory_space<vmem>>)
    %add3A_91 = arith.constant 0 : i32
    %add3A_92 = arith.addi %mul3A_32, %add3A_91 : i32
    %dma_start3A_93 = arith.constant 0 : i32
    %dma_start3A_94 = arith.constant 0 : i32
    %dma_start3A_95 = arith.constant 0 : i32
    %dma_start3A_96 = tpu.memref_slice %arg6[%dma_start3A_93, %dma_start3A_94, %dma_start3A_95] : memref<6x16x1024xf32, #tpu.memory_space<vmem>> -> memref<1x16x1024xf32, #tpu.memory_space<vmem>>
    %dma_start3A_97 = tpu.memref_squeeze %dma_start3A_96 : memref<1x16x1024xf32, #tpu.memory_space<vmem>> -> memref<16x1024xf32, #tpu.memory_space<vmem>>
    %dma_start3A_98 = arith.constant 0 : i32
    %dma_start3A_99 = tpu.memref_slice %arg4[%select_n3A, %add3A_92, %dma_start3A_98] : memref<2x4096x1024xf32, #tpu.memory_space<hbm>> -> memref<1x16x1024xf32, #tpu.memory_space<hbm>>
    %dma_start3A_100 = tpu.memref_squeeze %dma_start3A_99 : memref<1x16x1024xf32, #tpu.memory_space<hbm>> -> memref<16x1024xf32, #tpu.memory_space<hbm>>
    %dma_start3A_101 = arith.constant 0 : i32
    %dma_start3A_102 = tpu.memref_slice %arg4[%select_n3A, %add3A_92, %dma_start3A_101] : memref<2x4096x1024xf32, #tpu.memory_space<hbm>> -> memref<1x16x1024xf32, #tpu.memory_space<hbm>>
    %dma_start3A_103 = tpu.memref_squeeze %dma_start3A_102 : memref<1x16x1024xf32, #tpu.memory_space<hbm>> -> memref<16x1024xf32, #tpu.memory_space<hbm>>
    %dma_start3A_104 = arith.constant 0 : i32
    %dma_start3A_105 = arith.constant 0 : i32
    %dma_start3A_106 = tpu.memref_slice %arg6[%dma_start3A_93, %dma_start3A_104, %dma_start3A_105] : memref<6x16x1024xf32, #tpu.memory_space<vmem>> -> memref<1x16x1024xf32, #tpu.memory_space<vmem>>
    %dma_start3A_107 = tpu.memref_squeeze %dma_start3A_106 : memref<1x16x1024xf32, #tpu.memory_space<vmem>> -> memref<16x1024xf32, #tpu.memory_space<vmem>>
    tpu.enqueue_dma source(%dma_start3A_107 : memref<16x1024xf32, #tpu.memory_space<vmem>>) target(%dma_start3A_103 : memref<16x1024xf32, #tpu.memory_space<hbm>>) target_semaphore(%arg13 : memref<!tpu.dma_semaphore, #tpu.memory_space<semaphore_mem>>)
    %dma_start3A_108 = arith.constant 5 : i32
    %dma_start3A_109 = arith.constant 0 : i32
    %dma_start3A_110 = arith.constant 0 : i32
    %dma_start3A_111 = tpu.memref_slice %arg6[%dma_start3A_108, %dma_start3A_109, %dma_start3A_110] : memref<6x16x1024xf32, #tpu.memory_space<vmem>> -> memref<1x16x1024xf32, #tpu.memory_space<vmem>>
    %dma_start3A_112 = tpu.memref_squeeze %dma_start3A_111 : memref<1x16x1024xf32, #tpu.memory_space<vmem>> -> memref<16x1024xf32, #tpu.memory_space<vmem>>
    %dma_start3A_113 = arith.constant 80 : i32
    %dma_start3A_114 = tpu.memref_slice %arg5[%dma_start3A_113] : memref<256xi32, #tpu.memory_space<vmem>> -> memref<16xi32, #tpu.memory_space<vmem>>
    %dma_start3A_115 = arith.constant 0 : i32
    %dma_start3A_116 = arith.constant 0 : i32
    %dma_start3A_117 = tpu.memref_slice %arg3[%dma_start3A_115, %dma_start3A_116] : memref<100000x1024xf32, #tpu.memory_space<hbm>> -> memref<100000x1024xf32, #tpu.memory_space<hbm>>
    tpu.enqueue_indirect_dma source(%dma_start3A_117 : memref<100000x1024xf32, #tpu.memory_space<hbm>>) target(%dma_start3A_112 : memref<16x1024xf32, #tpu.memory_space<vmem>>) offsets(%dma_start3A_114 : memref<16xi32, #tpu.memory_space<vmem>>) semaphore(%arg12 : memref<!tpu.dma_semaphore, #tpu.memory_space<semaphore_mem>>)
    %dma_wait3A_118 = arith.constant 1 : i32
    %dma_wait3A_119 = arith.constant 0 : i32
    %dma_wait3A_120 = arith.constant 0 : i32
    %dma_wait3A_121 = tpu.memref_slice %arg6[%dma_wait3A_118, %dma_wait3A_119, %dma_wait3A_120] : memref<6x16x1024xf32, #tpu.memory_space<vmem>> -> memref<1x16x1024xf32, #tpu.memory_space<vmem>>
    %dma_wait3A_122 = tpu.memref_squeeze %dma_wait3A_121 : memref<1x16x1024xf32, #tpu.memory_space<vmem>> -> memref<16x1024xf32, #tpu.memory_space<vmem>>
    %dma_wait3A_123 = arith.constant 16 : i32
    %dma_wait3A_124 = tpu.memref_slice %arg5[%dma_wait3A_123] : memref<256xi32, #tpu.memory_space<vmem>> -> memref<16xi32, #tpu.memory_space<vmem>>
    %dma_wait3A_125 = arith.constant 0 : i32
    %dma_wait3A_126 = arith.constant 0 : i32
    %dma_wait3A_127 = tpu.memref_slice %arg3[%dma_wait3A_125, %dma_wait3A_126] : memref<100000x1024xf32, #tpu.memory_space<hbm>> -> memref<100000x1024xf32, #tpu.memory_space<hbm>>
    tpu.wait_indirect_dma semaphore(%arg8 : memref<!tpu.dma_semaphore, #tpu.memory_space<semaphore_mem>>) src(%dma_wait3A_127 : memref<100000x1024xf32, #tpu.memory_space<hbm>>) dst(%dma_wait3A_122 : memref<16x1024xf32, #tpu.memory_space<vmem>>)
    %add3A_128 = arith.constant 16 : i32
    %add3A_129 = arith.addi %mul3A_32, %add3A_128 : i32
    %dma_start3A_130 = arith.constant 1 : i32
    %dma_start3A_131 = arith.constant 0 : i32
    %dma_start3A_132 = arith.constant 0 : i32
    %dma_start3A_133 = tpu.memref_slice %arg6[%dma_start3A_130, %dma_start3A_131, %dma_start3A_132] : memref<6x16x1024xf32, #tpu.memory_space<vmem>> -> memref<1x16x1024xf32, #tpu.memory_space<vmem>>
    %dma_start3A_134 = tpu.memref_squeeze %dma_start3A_133 : memref<1x16x1024xf32, #tpu.memory_space<vmem>> -> memref<16x1024xf32, #tpu.memory_space<vmem>>
    %dma_start3A_135 = arith.constant 0 : i32
    %dma_start3A_136 = tpu.memref_slice %arg4[%select_n3A, %add3A_129, %dma_start3A_135] : memref<2x4096x1024xf32, #tpu.memory_space<hbm>> -> memref<1x16x1024xf32, #tpu.memory_space<hbm>>
    %dma_start3A_137 = tpu.memref_squeeze %dma_start3A_136 : memref<1x16x1024xf32, #tpu.memory_space<hbm>> -> memref<16x1024xf32, #tpu.memory_space<hbm>>
    %dma_start3A_138 = arith.constant 0 : i32
    %dma_start3A_139 = tpu.memref_slice %arg4[%select_n3A, %add3A_129, %dma_start3A_138] : memref<2x4096x1024xf32, #tpu.memory_space<hbm>> -> memref<1x16x1024xf32, #tpu.memory_space<hbm>>
    %dma_start3A_140 = tpu.memref_squeeze %dma_start3A_139 : memref<1x16x1024xf32, #tpu.memory_space<hbm>> -> memref<16x1024xf32, #tpu.memory_space<hbm>>
    %dma_start3A_141 = arith.constant 0 : i32
    %dma_start3A_142 = arith.constant 0 : i32
    %dma_start3A_143 = tpu.memref_slice %arg6[%dma_start3A_130, %dma_start3A_141, %dma_start3A_142] : memref<6x16x1024xf32, #tpu.memory_space<vmem>> -> memref<1x16x1024xf32, #tpu.memory_space<vmem>>
    %dma_start3A_144 = tpu.memref_squeeze %dma_start3A_143 : memref<1x16x1024xf32, #tpu.memory_space<vmem>> -> memref<16x1024xf32, #tpu.memory_space<vmem>>
    tpu.enqueue_dma source(%dma_start3A_144 : memref<16x1024xf32, #tpu.memory_space<vmem>>) target(%dma_start3A_140 : memref<16x1024xf32, #tpu.memory_space<hbm>>) target_semaphore(%arg14 : memref<!tpu.dma_semaphore, #tpu.memory_space<semaphore_mem>>)
    %dma_wait3A_145 = arith.constant 0 : i32
    %dma_wait3A_146 = arith.constant 0 : i32
    %dma_wait3A_147 = arith.constant 0 : i32
    %dma_wait3A_148 = tpu.memref_slice %arg6[%dma_wait3A_145, %dma_wait3A_146, %dma_wait3A_147] : memref<6x16x1024xf32, #tpu.memory_space<vmem>> -> memref<1x16x1024xf32, #tpu.memory_space<vmem>>
    %dma_wait3A_149 = tpu.memref_squeeze %dma_wait3A_148 : memref<1x16x1024xf32, #tpu.memory_space<vmem>> -> memref<16x1024xf32, #tpu.memory_space<vmem>>
    %dma_wait3A_150 = arith.constant 0 : i32
    %dma_wait3A_151 = tpu.memref_slice %arg4[%select_n3A, %add3A_92, %dma_wait3A_150] : memref<2x4096x1024xf32, #tpu.memory_space<hbm>> -> memref<1x16x1024xf32, #tpu.memory_space<hbm>>
    %dma_wait3A_152 = tpu.memref_squeeze %dma_wait3A_151 : memref<1x16x1024xf32, #tpu.memory_space<hbm>> -> memref<16x1024xf32, #tpu.memory_space<hbm>>
    %dma_wait3A_153 = arith.constant 0 : i32
    %dma_wait3A_154 = tpu.memref_slice %arg4[%select_n3A, %add3A_92, %dma_wait3A_153] : memref<2x4096x1024xf32, #tpu.memory_space<hbm>> -> memref<1x16x1024xf32, #tpu.memory_space<hbm>>
    %dma_wait3A_155 = tpu.memref_squeeze %dma_wait3A_154 : memref<1x16x1024xf32, #tpu.memory_space<hbm>> -> memref<16x1024xf32, #tpu.memory_space<hbm>>
    %dma_wait3A_156 = arith.constant 0 : i32
    %dma_wait3A_157 = arith.constant 0 : i32
    %dma_wait3A_158 = tpu.memref_slice %arg6[%dma_wait3A_145, %dma_wait3A_156, %dma_wait3A_157] : memref<6x16x1024xf32, #tpu.memory_space<vmem>> -> memref<1x16x1024xf32, #tpu.memory_space<vmem>>
    %dma_wait3A_159 = tpu.memref_squeeze %dma_wait3A_158 : memref<1x16x1024xf32, #tpu.memory_space<vmem>> -> memref<16x1024xf32, #tpu.memory_space<vmem>>
    tpu.wait_dma2 semaphore(%arg13 : memref<!tpu.dma_semaphore, #tpu.memory_space<semaphore_mem>>) src(%dma_wait3A_159 : memref<16x1024xf32, #tpu.memory_space<vmem>>) dst(%dma_wait3A_155 : memref<16x1024xf32, #tpu.memory_space<hbm>>)
    %dma_start3A_160 = arith.constant 0 : i32
    %dma_start3A_161 = arith.constant 0 : i32
    %dma_start3A_162 = arith.constant 0 : i32
    %dma_start3A_163 = tpu.memref_slice %arg6[%dma_start3A_160, %dma_start3A_161, %dma_start3A_162] : memref<6x16x1024xf32, #tpu.memory_space<vmem>> -> memref<1x16x1024xf32, #tpu.memory_space<vmem>>
    %dma_start3A_164 = tpu.memref_squeeze %dma_start3A_163 : memref<1x16x1024xf32, #tpu.memory_space<vmem>> -> memref<16x1024xf32, #tpu.memory_space<vmem>>
    %dma_start3A_165 = arith.constant 96 : i32
    %dma_start3A_166 = tpu.memref_slice %arg5[%dma_start3A_165] : memref<256xi32, #tpu.memory_space<vmem>> -> memref<16xi32, #tpu.memory_space<vmem>>
    %dma_start3A_167 = arith.constant 0 : i32
    %dma_start3A_168 = arith.constant 0 : i32
    %dma_start3A_169 = tpu.memref_slice %arg3[%dma_start3A_167, %dma_start3A_168] : memref<100000x1024xf32, #tpu.memory_space<hbm>> -> memref<100000x1024xf32, #tpu.memory_space<hbm>>
    tpu.enqueue_indirect_dma source(%dma_start3A_169 : memref<100000x1024xf32, #tpu.memory_space<hbm>>) target(%dma_start3A_164 : memref<16x1024xf32, #tpu.memory_space<vmem>>) offsets(%dma_start3A_166 : memref<16xi32, #tpu.memory_space<vmem>>) semaphore(%arg7 : memref<!tpu.dma_semaphore, #tpu.memory_space<semaphore_mem>>)
    %dma_wait3A_170 = arith.constant 2 : i32
    %dma_wait3A_171 = arith.constant 0 : i32
    %dma_wait3A_172 = arith.constant 0 : i32
    %dma_wait3A_173 = tpu.memref_slice %arg6[%dma_wait3A_170, %dma_wait3A_171, %dma_wait3A_172] : memref<6x16x1024xf32, #tpu.memory_space<vmem>> -> memref<1x16x1024xf32, #tpu.memory_space<vmem>>
    %dma_wait3A_174 = tpu.memref_squeeze %dma_wait3A_173 : memref<1x16x1024xf32, #tpu.memory_space<vmem>> -> memref<16x1024xf32, #tpu.memory_space<vmem>>
    %dma_wait3A_175 = arith.constant 32 : i32
    %dma_wait3A_176 = tpu.memref_slice %arg5[%dma_wait3A_175] : memref<256xi32, #tpu.memory_space<vmem>> -> memref<16xi32, #tpu.memory_space<vmem>>
    %dma_wait3A_177 = arith.constant 0 : i32
    %dma_wait3A_178 = arith.constant 0 : i32
    %dma_wait3A_179 = tpu.memref_slice %arg3[%dma_wait3A_177, %dma_wait3A_178] : memref<100000x1024xf32, #tpu.memory_space<hbm>> -> memref<100000x1024xf32, #tpu.memory_space<hbm>>
    tpu.wait_indirect_dma semaphore(%arg9 : memref<!tpu.dma_semaphore, #tpu.memory_space<semaphore_mem>>) src(%dma_wait3A_179 : memref<100000x1024xf32, #tpu.memory_space<hbm>>) dst(%dma_wait3A_174 : memref<16x1024xf32, #tpu.memory_space<vmem>>)
    %add3A_180 = arith.constant 32 : i32
    %add3A_181 = arith.addi %mul3A_32, %add3A_180 : i32
    %dma_start3A_182 = arith.constant 2 : i32
    %dma_start3A_183 = arith.constant 0 : i32
    %dma_start3A_184 = arith.constant 0 : i32
    %dma_start3A_185 = tpu.memref_slice %arg6[%dma_start3A_182, %dma_start3A_183, %dma_start3A_184] : memref<6x16x1024xf32, #tpu.memory_space<vmem>> -> memref<1x16x1024xf32, #tpu.memory_space<vmem>>
    %dma_start3A_186 = tpu.memref_squeeze %dma_start3A_185 : memref<1x16x1024xf32, #tpu.memory_space<vmem>> -> memref<16x1024xf32, #tpu.memory_space<vmem>>
    %dma_start3A_187 = arith.constant 0 : i32
    %dma_start3A_188 = tpu.memref_slice %arg4[%select_n3A, %add3A_181, %dma_start3A_187] : memref<2x4096x1024xf32, #tpu.memory_space<hbm>> -> memref<1x16x1024xf32, #tpu.memory_space<hbm>>
    %dma_start3A_189 = tpu.memref_squeeze %dma_start3A_188 : memref<1x16x1024xf32, #tpu.memory_space<hbm>> -> memref<16x1024xf32, #tpu.memory_space<hbm>>
    %dma_start3A_190 = arith.constant 0 : i32
    %dma_start3A_191 = tpu.memref_slice %arg4[%select_n3A, %add3A_181, %dma_start3A_190] : memref<2x4096x1024xf32, #tpu.memory_space<hbm>> -> memref<1x16x1024xf32, #tpu.memory_space<hbm>>
    %dma_start3A_192 = tpu.memref_squeeze %dma_start3A_191 : memref<1x16x1024xf32, #tpu.memory_space<hbm>> -> memref<16x1024xf32, #tpu.memory_space<hbm>>
    %dma_start3A_193 = arith.constant 0 : i32
    %dma_start3A_194 = arith.constant 0 : i32
    %dma_start3A_195 = tpu.memref_slice %arg6[%dma_start3A_182, %dma_start3A_193, %dma_start3A_194] : memref<6x16x1024xf32, #tpu.memory_space<vmem>> -> memref<1x16x1024xf32, #tpu.memory_space<vmem>>
    %dma_start3A_196 = tpu.memref_squeeze %dma_start3A_195 : memref<1x16x1024xf32, #tpu.memory_space<vmem>> -> memref<16x1024xf32, #tpu.memory_space<vmem>>
    tpu.enqueue_dma source(%dma_start3A_196 : memref<16x1024xf32, #tpu.memory_space<vmem>>) target(%dma_start3A_192 : memref<16x1024xf32, #tpu.memory_space<hbm>>) target_semaphore(%arg15 : memref<!tpu.dma_semaphore, #tpu.memory_space<semaphore_mem>>)
    %dma_wait3A_197 = arith.constant 1 : i32
    %dma_wait3A_198 = arith.constant 0 : i32
    %dma_wait3A_199 = arith.constant 0 : i32
    %dma_wait3A_200 = tpu.memref_slice %arg6[%dma_wait3A_197, %dma_wait3A_198, %dma_wait3A_199] : memref<6x16x1024xf32, #tpu.memory_space<vmem>> -> memref<1x16x1024xf32, #tpu.memory_space<vmem>>
    %dma_wait3A_201 = tpu.memref_squeeze %dma_wait3A_200 : memref<1x16x1024xf32, #tpu.memory_space<vmem>> -> memref<16x1024xf32, #tpu.memory_space<vmem>>
    %dma_wait3A_202 = arith.constant 0 : i32
    %dma_wait3A_203 = tpu.memref_slice %arg4[%select_n3A, %add3A_129, %dma_wait3A_202] : memref<2x4096x1024xf32, #tpu.memory_space<hbm>> -> memref<1x16x1024xf32, #tpu.memory_space<hbm>>
    %dma_wait3A_204 = tpu.memref_squeeze %dma_wait3A_203 : memref<1x16x1024xf32, #tpu.memory_space<hbm>> -> memref<16x1024xf32, #tpu.memory_space<hbm>>
    %dma_wait3A_205 = arith.constant 0 : i32
    %dma_wait3A_206 = tpu.memref_slice %arg4[%select_n3A, %add3A_129, %dma_wait3A_205] : memref<2x4096x1024xf32, #tpu.memory_space<hbm>> -> memref<1x16x1024xf32, #tpu.memory_space<hbm>>
    %dma_wait3A_207 = tpu.memref_squeeze %dma_wait3A_206 : memref<1x16x1024xf32, #tpu.memory_space<hbm>> -> memref<16x1024xf32, #tpu.memory_space<hbm>>
    %dma_wait3A_208 = arith.constant 0 : i32
    %dma_wait3A_209 = arith.constant 0 : i32
    %dma_wait3A_210 = tpu.memref_slice %arg6[%dma_wait3A_197, %dma_wait3A_208, %dma_wait3A_209] : memref<6x16x1024xf32, #tpu.memory_space<vmem>> -> memref<1x16x1024xf32, #tpu.memory_space<vmem>>
    %dma_wait3A_211 = tpu.memref_squeeze %dma_wait3A_210 : memref<1x16x1024xf32, #tpu.memory_space<vmem>> -> memref<16x1024xf32, #tpu.memory_space<vmem>>
    tpu.wait_dma2 semaphore(%arg14 : memref<!tpu.dma_semaphore, #tpu.memory_space<semaphore_mem>>) src(%dma_wait3A_211 : memref<16x1024xf32, #tpu.memory_space<vmem>>) dst(%dma_wait3A_207 : memref<16x1024xf32, #tpu.memory_space<hbm>>)
    %dma_start3A_212 = arith.constant 1 : i32
    %dma_start3A_213 = arith.constant 0 : i32
    %dma_start3A_214 = arith.constant 0 : i32
    %dma_start3A_215 = tpu.memref_slice %arg6[%dma_start3A_212, %dma_start3A_213, %dma_start3A_214] : memref<6x16x1024xf32, #tpu.memory_space<vmem>> -> memref<1x16x1024xf32, #tpu.memory_space<vmem>>
    %dma_start3A_216 = tpu.memref_squeeze %dma_start3A_215 : memref<1x16x1024xf32, #tpu.memory_space<vmem>> -> memref<16x1024xf32, #tpu.memory_space<vmem>>
    %dma_start3A_217 = arith.constant 112 : i32
    %dma_start3A_218 = tpu.memref_slice %arg5[%dma_start3A_217] : memref<256xi32, #tpu.memory_space<vmem>> -> memref<16xi32, #tpu.memory_space<vmem>>
    %dma_start3A_219 = arith.constant 0 : i32
    %dma_start3A_220 = arith.constant 0 : i32
    %dma_start3A_221 = tpu.memref_slice %arg3[%dma_start3A_219, %dma_start3A_220] : memref<100000x1024xf32, #tpu.memory_space<hbm>> -> memref<100000x1024xf32, #tpu.memory_space<hbm>>
    tpu.enqueue_indirect_dma source(%dma_start3A_221 : memref<100000x1024xf32, #tpu.memory_space<hbm>>) target(%dma_start3A_216 : memref<16x1024xf32, #tpu.memory_space<vmem>>) offsets(%dma_start3A_218 : memref<16xi32, #tpu.memory_space<vmem>>) semaphore(%arg8 : memref<!tpu.dma_semaphore, #tpu.memory_space<semaphore_mem>>)
    %dma_wait3A_222 = arith.constant 3 : i32
    %dma_wait3A_223 = arith.constant 0 : i32
    %dma_wait3A_224 = arith.constant 0 : i32
    %dma_wait3A_225 = tpu.memref_slice %arg6[%dma_wait3A_222, %dma_wait3A_223, %dma_wait3A_224] : memref<6x16x1024xf32, #tpu.memory_space<vmem>> -> memref<1x16x1024xf32, #tpu.memory_space<vmem>>
    %dma_wait3A_226 = tpu.memref_squeeze %dma_wait3A_225 : memref<1x16x1024xf32, #tpu.memory_space<vmem>> -> memref<16x1024xf32, #tpu.memory_space<vmem>>
    %dma_wait3A_227 = arith.constant 48 : i32
    %dma_wait3A_228 = tpu.memref_slice %arg5[%dma_wait3A_227] : memref<256xi32, #tpu.memory_space<vmem>> -> memref<16xi32, #tpu.memory_space<vmem>>
    %dma_wait3A_229 = arith.constant 0 : i32
    %dma_wait3A_230 = arith.constant 0 : i32
    %dma_wait3A_231 = tpu.memref_slice %arg3[%dma_wait3A_229, %dma_wait3A_230] : memref<100000x1024xf32, #tpu.memory_space<hbm>> -> memref<100000x1024xf32, #tpu.memory_space<hbm>>
    tpu.wait_indirect_dma semaphore(%arg10 : memref<!tpu.dma_semaphore, #tpu.memory_space<semaphore_mem>>) src(%dma_wait3A_231 : memref<100000x1024xf32, #tpu.memory_space<hbm>>) dst(%dma_wait3A_226 : memref<16x1024xf32, #tpu.memory_space<vmem>>)
    %add3A_232 = arith.constant 48 : i32
    %add3A_233 = arith.addi %mul3A_32, %add3A_232 : i32
    %dma_start3A_234 = arith.constant 3 : i32
    %dma_start3A_235 = arith.constant 0 : i32
    %dma_start3A_236 = arith.constant 0 : i32
    %dma_start3A_237 = tpu.memref_slice %arg6[%dma_start3A_234, %dma_start3A_235, %dma_start3A_236] : memref<6x16x1024xf32, #tpu.memory_space<vmem>> -> memref<1x16x1024xf32, #tpu.memory_space<vmem>>
    %dma_start3A_238 = tpu.memref_squeeze %dma_start3A_237 : memref<1x16x1024xf32, #tpu.memory_space<vmem>> -> memref<16x1024xf32, #tpu.memory_space<vmem>>
    %dma_start3A_239 = arith.constant 0 : i32
    %dma_start3A_240 = tpu.memref_slice %arg4[%select_n3A, %add3A_233, %dma_start3A_239] : memref<2x4096x1024xf32, #tpu.memory_space<hbm>> -> memref<1x16x1024xf32, #tpu.memory_space<hbm>>
    %dma_start3A_241 = tpu.memref_squeeze %dma_start3A_240 : memref<1x16x1024xf32, #tpu.memory_space<hbm>> -> memref<16x1024xf32, #tpu.memory_space<hbm>>
    %dma_start3A_242 = arith.constant 0 : i32
    %dma_start3A_243 = tpu.memref_slice %arg4[%select_n3A, %add3A_233, %dma_start3A_242] : memref<2x4096x1024xf32, #tpu.memory_space<hbm>> -> memref<1x16x1024xf32, #tpu.memory_space<hbm>>
    %dma_start3A_244 = tpu.memref_squeeze %dma_start3A_243 : memref<1x16x1024xf32, #tpu.memory_space<hbm>> -> memref<16x1024xf32, #tpu.memory_space<hbm>>
    %dma_start3A_245 = arith.constant 0 : i32
    %dma_start3A_246 = arith.constant 0 : i32
    %dma_start3A_247 = tpu.memref_slice %arg6[%dma_start3A_234, %dma_start3A_245, %dma_start3A_246] : memref<6x16x1024xf32, #tpu.memory_space<vmem>> -> memref<1x16x1024xf32, #tpu.memory_space<vmem>>
    %dma_start3A_248 = tpu.memref_squeeze %dma_start3A_247 : memref<1x16x1024xf32, #tpu.memory_space<vmem>> -> memref<16x1024xf32, #tpu.memory_space<vmem>>
    tpu.enqueue_dma source(%dma_start3A_248 : memref<16x1024xf32, #tpu.memory_space<vmem>>) target(%dma_start3A_244 : memref<16x1024xf32, #tpu.memory_space<hbm>>) target_semaphore(%arg16 : memref<!tpu.dma_semaphore, #tpu.memory_space<semaphore_mem>>)
    %dma_wait3A_249 = arith.constant 2 : i32
    %dma_wait3A_250 = arith.constant 0 : i32
    %dma_wait3A_251 = arith.constant 0 : i32
    %dma_wait3A_252 = tpu.memref_slice %arg6[%dma_wait3A_249, %dma_wait3A_250, %dma_wait3A_251] : memref<6x16x1024xf32, #tpu.memory_space<vmem>> -> memref<1x16x1024xf32, #tpu.memory_space<vmem>>
    %dma_wait3A_253 = tpu.memref_squeeze %dma_wait3A_252 : memref<1x16x1024xf32, #tpu.memory_space<vmem>> -> memref<16x1024xf32, #tpu.memory_space<vmem>>
    %dma_wait3A_254 = arith.constant 0 : i32
    %dma_wait3A_255 = tpu.memref_slice %arg4[%select_n3A, %add3A_181, %dma_wait3A_254] : memref<2x4096x1024xf32, #tpu.memory_space<hbm>> -> memref<1x16x1024xf32, #tpu.memory_space<hbm>>
    %dma_wait3A_256 = tpu.memref_squeeze %dma_wait3A_255 : memref<1x16x1024xf32, #tpu.memory_space<hbm>> -> memref<16x1024xf32, #tpu.memory_space<hbm>>
    %dma_wait3A_257 = arith.constant 0 : i32
    %dma_wait3A_258 = tpu.memref_slice %arg4[%select_n3A, %add3A_181, %dma_wait3A_257] : memref<2x4096x1024xf32, #tpu.memory_space<hbm>> -> memref<1x16x1024xf32, #tpu.memory_space<hbm>>
    %dma_wait3A_259 = tpu.memref_squeeze %dma_wait3A_258 : memref<1x16x1024xf32, #tpu.memory_space<hbm>> -> memref<16x1024xf32, #tpu.memory_space<hbm>>
    %dma_wait3A_260 = arith.constant 0 : i32
    %dma_wait3A_261 = arith.constant 0 : i32
    %dma_wait3A_262 = tpu.memref_slice %arg6[%dma_wait3A_249, %dma_wait3A_260, %dma_wait3A_261] : memref<6x16x1024xf32, #tpu.memory_space<vmem>> -> memref<1x16x1024xf32, #tpu.memory_space<vmem>>
    %dma_wait3A_263 = tpu.memref_squeeze %dma_wait3A_262 : memref<1x16x1024xf32, #tpu.memory_space<vmem>> -> memref<16x1024xf32, #tpu.memory_space<vmem>>
    tpu.wait_dma2 semaphore(%arg15 : memref<!tpu.dma_semaphore, #tpu.memory_space<semaphore_mem>>) src(%dma_wait3A_263 : memref<16x1024xf32, #tpu.memory_space<vmem>>) dst(%dma_wait3A_259 : memref<16x1024xf32, #tpu.memory_space<hbm>>)
    %dma_start3A_264 = arith.constant 2 : i32
    %dma_start3A_265 = arith.constant 0 : i32
    %dma_start3A_266 = arith.constant 0 : i32
    %dma_start3A_267 = tpu.memref_slice %arg6[%dma_start3A_264, %dma_start3A_265, %dma_start3A_266] : memref<6x16x1024xf32, #tpu.memory_space<vmem>> -> memref<1x16x1024xf32, #tpu.memory_space<vmem>>
    %dma_start3A_268 = tpu.memref_squeeze %dma_start3A_267 : memref<1x16x1024xf32, #tpu.memory_space<vmem>> -> memref<16x1024xf32, #tpu.memory_space<vmem>>
    %dma_start3A_269 = arith.constant 128 : i32
    %dma_start3A_270 = tpu.memref_slice %arg5[%dma_start3A_269] : memref<256xi32, #tpu.memory_space<vmem>> -> memref<16xi32, #tpu.memory_space<vmem>>
    %dma_start3A_271 = arith.constant 0 : i32
    %dma_start3A_272 = arith.constant 0 : i32
    %dma_start3A_273 = tpu.memref_slice %arg3[%dma_start3A_271, %dma_start3A_272] : memref<100000x1024xf32, #tpu.memory_space<hbm>> -> memref<100000x1024xf32, #tpu.memory_space<hbm>>
    tpu.enqueue_indirect_dma source(%dma_start3A_273 : memref<100000x1024xf32, #tpu.memory_space<hbm>>) target(%dma_start3A_268 : memref<16x1024xf32, #tpu.memory_space<vmem>>) offsets(%dma_start3A_270 : memref<16xi32, #tpu.memory_space<vmem>>) semaphore(%arg9 : memref<!tpu.dma_semaphore, #tpu.memory_space<semaphore_mem>>)
    %dma_wait3A_274 = arith.constant 4 : i32
    %dma_wait3A_275 = arith.constant 0 : i32
    %dma_wait3A_276 = arith.constant 0 : i32
    %dma_wait3A_277 = tpu.memref_slice %arg6[%dma_wait3A_274, %dma_wait3A_275, %dma_wait3A_276] : memref<6x16x1024xf32, #tpu.memory_space<vmem>> -> memref<1x16x1024xf32, #tpu.memory_space<vmem>>
    %dma_wait3A_278 = tpu.memref_squeeze %dma_wait3A_277 : memref<1x16x1024xf32, #tpu.memory_space<vmem>> -> memref<16x1024xf32, #tpu.memory_space<vmem>>
    %dma_wait3A_279 = arith.constant 64 : i32
    %dma_wait3A_280 = tpu.memref_slice %arg5[%dma_wait3A_279] : memref<256xi32, #tpu.memory_space<vmem>> -> memref<16xi32, #tpu.memory_space<vmem>>
    %dma_wait3A_281 = arith.constant 0 : i32
    %dma_wait3A_282 = arith.constant 0 : i32
    %dma_wait3A_283 = tpu.memref_slice %arg3[%dma_wait3A_281, %dma_wait3A_282] : memref<100000x1024xf32, #tpu.memory_space<hbm>> -> memref<100000x1024xf32, #tpu.memory_space<hbm>>
    tpu.wait_indirect_dma semaphore(%arg11 : memref<!tpu.dma_semaphore, #tpu.memory_space<semaphore_mem>>) src(%dma_wait3A_283 : memref<100000x1024xf32, #tpu.memory_space<hbm>>) dst(%dma_wait3A_278 : memref<16x1024xf32, #tpu.memory_space<vmem>>)
    %add3A_284 = arith.constant 64 : i32
    %add3A_285 = arith.addi %mul3A_32, %add3A_284 : i32
    %dma_start3A_286 = arith.constant 4 : i32
    %dma_start3A_287 = arith.constant 0 : i32
    %dma_start3A_288 = arith.constant 0 : i32
    %dma_start3A_289 = tpu.memref_slice %arg6[%dma_start3A_286, %dma_start3A_287, %dma_start3A_288] : memref<6x16x1024xf32, #tpu.memory_space<vmem>> -> memref<1x16x1024xf32, #tpu.memory_space<vmem>>
    %dma_start3A_290 = tpu.memref_squeeze %dma_start3A_289 : memref<1x16x1024xf32, #tpu.memory_space<vmem>> -> memref<16x1024xf32, #tpu.memory_space<vmem>>
    %dma_start3A_291 = arith.constant 0 : i32
    %dma_start3A_292 = tpu.memref_slice %arg4[%select_n3A, %add3A_285, %dma_start3A_291] : memref<2x4096x1024xf32, #tpu.memory_space<hbm>> -> memref<1x16x1024xf32, #tpu.memory_space<hbm>>
    %dma_start3A_293 = tpu.memref_squeeze %dma_start3A_292 : memref<1x16x1024xf32, #tpu.memory_space<hbm>> -> memref<16x1024xf32, #tpu.memory_space<hbm>>
    %dma_start3A_294 = arith.constant 0 : i32
    %dma_start3A_295 = tpu.memref_slice %arg4[%select_n3A, %add3A_285, %dma_start3A_294] : memref<2x4096x1024xf32, #tpu.memory_space<hbm>> -> memref<1x16x1024xf32, #tpu.memory_space<hbm>>
    %dma_start3A_296 = tpu.memref_squeeze %dma_start3A_295 : memref<1x16x1024xf32, #tpu.memory_space<hbm>> -> memref<16x1024xf32, #tpu.memory_space<hbm>>
    %dma_start3A_297 = arith.constant 0 : i32
    %dma_start3A_298 = arith.constant 0 : i32
    %dma_start3A_299 = tpu.memref_slice %arg6[%dma_start3A_286, %dma_start3A_297, %dma_start3A_298] : memref<6x16x1024xf32, #tpu.memory_space<vmem>> -> memref<1x16x1024xf32, #tpu.memory_space<vmem>>
    %dma_start3A_300 = tpu.memref_squeeze %dma_start3A_299 : memref<1x16x1024xf32, #tpu.memory_space<vmem>> -> memref<16x1024xf32, #tpu.memory_space<vmem>>
    tpu.enqueue_dma source(%dma_start3A_300 : memref<16x1024xf32, #tpu.memory_space<vmem>>) target(%dma_start3A_296 : memref<16x1024xf32, #tpu.memory_space<hbm>>) target_semaphore(%arg17 : memref<!tpu.dma_semaphore, #tpu.memory_space<semaphore_mem>>)
    %dma_wait3A_301 = arith.constant 3 : i32
    %dma_wait3A_302 = arith.constant 0 : i32
    %dma_wait3A_303 = arith.constant 0 : i32
    %dma_wait3A_304 = tpu.memref_slice %arg6[%dma_wait3A_301, %dma_wait3A_302, %dma_wait3A_303] : memref<6x16x1024xf32, #tpu.memory_space<vmem>> -> memref<1x16x1024xf32, #tpu.memory_space<vmem>>
    %dma_wait3A_305 = tpu.memref_squeeze %dma_wait3A_304 : memref<1x16x1024xf32, #tpu.memory_space<vmem>> -> memref<16x1024xf32, #tpu.memory_space<vmem>>
    %dma_wait3A_306 = arith.constant 0 : i32
    %dma_wait3A_307 = tpu.memref_slice %arg4[%select_n3A, %add3A_233, %dma_wait3A_306] : memref<2x4096x1024xf32, #tpu.memory_space<hbm>> -> memref<1x16x1024xf32, #tpu.memory_space<hbm>>
    %dma_wait3A_308 = tpu.memref_squeeze %dma_wait3A_307 : memref<1x16x1024xf32, #tpu.memory_space<hbm>> -> memref<16x1024xf32, #tpu.memory_space<hbm>>
    %dma_wait3A_309 = arith.constant 0 : i32
    %dma_wait3A_310 = tpu.memref_slice %arg4[%select_n3A, %add3A_233, %dma_wait3A_309] : memref<2x4096x1024xf32, #tpu.memory_space<hbm>> -> memref<1x16x1024xf32, #tpu.memory_space<hbm>>
    %dma_wait3A_311 = tpu.memref_squeeze %dma_wait3A_310 : memref<1x16x1024xf32, #tpu.memory_space<hbm>> -> memref<16x1024xf32, #tpu.memory_space<hbm>>
    %dma_wait3A_312 = arith.constant 0 : i32
    %dma_wait3A_313 = arith.constant 0 : i32
    %dma_wait3A_314 = tpu.memref_slice %arg6[%dma_wait3A_301, %dma_wait3A_312, %dma_wait3A_313] : memref<6x16x1024xf32, #tpu.memory_space<vmem>> -> memref<1x16x1024xf32, #tpu.memory_space<vmem>>
    %dma_wait3A_315 = tpu.memref_squeeze %dma_wait3A_314 : memref<1x16x1024xf32, #tpu.memory_space<vmem>> -> memref<16x1024xf32, #tpu.memory_space<vmem>>
    tpu.wait_dma2 semaphore(%arg16 : memref<!tpu.dma_semaphore, #tpu.memory_space<semaphore_mem>>) src(%dma_wait3A_315 : memref<16x1024xf32, #tpu.memory_space<vmem>>) dst(%dma_wait3A_311 : memref<16x1024xf32, #tpu.memory_space<hbm>>)
    %dma_start3A_316 = arith.constant 3 : i32
    %dma_start3A_317 = arith.constant 0 : i32
    %dma_start3A_318 = arith.constant 0 : i32
    %dma_start3A_319 = tpu.memref_slice %arg6[%dma_start3A_316, %dma_start3A_317, %dma_start3A_318] : memref<6x16x1024xf32, #tpu.memory_space<vmem>> -> memref<1x16x1024xf32, #tpu.memory_space<vmem>>
    %dma_start3A_320 = tpu.memref_squeeze %dma_start3A_319 : memref<1x16x1024xf32, #tpu.memory_space<vmem>> -> memref<16x1024xf32, #tpu.memory_space<vmem>>
    %dma_start3A_321 = arith.constant 144 : i32
    %dma_start3A_322 = tpu.memref_slice %arg5[%dma_start3A_321] : memref<256xi32, #tpu.memory_space<vmem>> -> memref<16xi32, #tpu.memory_space<vmem>>
    %dma_start3A_323 = arith.constant 0 : i32
    %dma_start3A_324 = arith.constant 0 : i32
    %dma_start3A_325 = tpu.memref_slice %arg3[%dma_start3A_323, %dma_start3A_324] : memref<100000x1024xf32, #tpu.memory_space<hbm>> -> memref<100000x1024xf32, #tpu.memory_space<hbm>>
    tpu.enqueue_indirect_dma source(%dma_start3A_325 : memref<100000x1024xf32, #tpu.memory_space<hbm>>) target(%dma_start3A_320 : memref<16x1024xf32, #tpu.memory_space<vmem>>) offsets(%dma_start3A_322 : memref<16xi32, #tpu.memory_space<vmem>>) semaphore(%arg10 : memref<!tpu.dma_semaphore, #tpu.memory_space<semaphore_mem>>)
    %dma_wait3A_326 = arith.constant 5 : i32
    %dma_wait3A_327 = arith.constant 0 : i32
    %dma_wait3A_328 = arith.constant 0 : i32
    %dma_wait3A_329 = tpu.memref_slice %arg6[%dma_wait3A_326, %dma_wait3A_327, %dma_wait3A_328] : memref<6x16x1024xf32, #tpu.memory_space<vmem>> -> memref<1x16x1024xf32, #tpu.memory_space<vmem>>
    %dma_wait3A_330 = tpu.memref_squeeze %dma_wait3A_329 : memref<1x16x1024xf32, #tpu.memory_space<vmem>> -> memref<16x1024xf32, #tpu.memory_space<vmem>>
    %dma_wait3A_331 = arith.constant 80 : i32
    %dma_wait3A_332 = tpu.memref_slice %arg5[%dma_wait3A_331] : memref<256xi32, #tpu.memory_space<vmem>> -> memref<16xi32, #tpu.memory_space<vmem>>
    %dma_wait3A_333 = arith.constant 0 : i32
    %dma_wait3A_334 = arith.constant 0 : i32
    %dma_wait3A_335 = tpu.memref_slice %arg3[%dma_wait3A_333, %dma_wait3A_334] : memref<100000x1024xf32, #tpu.memory_space<hbm>> -> memref<100000x1024xf32, #tpu.memory_space<hbm>>
    tpu.wait_indirect_dma semaphore(%arg12 : memref<!tpu.dma_semaphore, #tpu.memory_space<semaphore_mem>>) src(%dma_wait3A_335 : memref<100000x1024xf32, #tpu.memory_space<hbm>>) dst(%dma_wait3A_330 : memref<16x1024xf32, #tpu.memory_space<vmem>>)
    %add3A_336 = arith.constant 80 : i32
    %add3A_337 = arith.addi %mul3A_32, %add3A_336 : i32
    %dma_start3A_338 = arith.constant 5 : i32
    %dma_start3A_339 = arith.constant 0 : i32
    %dma_start3A_340 = arith.constant 0 : i32
    %dma_start3A_341 = tpu.memref_slice %arg6[%dma_start3A_338, %dma_start3A_339, %dma_start3A_340] : memref<6x16x1024xf32, #tpu.memory_space<vmem>> -> memref<1x16x1024xf32, #tpu.memory_space<vmem>>
    %dma_start3A_342 = tpu.memref_squeeze %dma_start3A_341 : memref<1x16x1024xf32, #tpu.memory_space<vmem>> -> memref<16x1024xf32, #tpu.memory_space<vmem>>
    %dma_start3A_343 = arith.constant 0 : i32
    %dma_start3A_344 = tpu.memref_slice %arg4[%select_n3A, %add3A_337, %dma_start3A_343] : memref<2x4096x1024xf32, #tpu.memory_space<hbm>> -> memref<1x16x1024xf32, #tpu.memory_space<hbm>>
    %dma_start3A_345 = tpu.memref_squeeze %dma_start3A_344 : memref<1x16x1024xf32, #tpu.memory_space<hbm>> -> memref<16x1024xf32, #tpu.memory_space<hbm>>
    %dma_start3A_346 = arith.constant 0 : i32
    %dma_start3A_347 = tpu.memref_slice %arg4[%select_n3A, %add3A_337, %dma_start3A_346] : memref<2x4096x1024xf32, #tpu.memory_space<hbm>> -> memref<1x16x1024xf32, #tpu.memory_space<hbm>>
    %dma_start3A_348 = tpu.memref_squeeze %dma_start3A_347 : memref<1x16x1024xf32, #tpu.memory_space<hbm>> -> memref<16x1024xf32, #tpu.memory_space<hbm>>
    %dma_start3A_349 = arith.constant 0 : i32
    %dma_start3A_350 = arith.constant 0 : i32
    %dma_start3A_351 = tpu.memref_slice %arg6[%dma_start3A_338, %dma_start3A_349, %dma_start3A_350] : memref<6x16x1024xf32, #tpu.memory_space<vmem>> -> memref<1x16x1024xf32, #tpu.memory_space<vmem>>
    %dma_start3A_352 = tpu.memref_squeeze %dma_start3A_351 : memref<1x16x1024xf32, #tpu.memory_space<vmem>> -> memref<16x1024xf32, #tpu.memory_space<vmem>>
    tpu.enqueue_dma source(%dma_start3A_352 : memref<16x1024xf32, #tpu.memory_space<vmem>>) target(%dma_start3A_348 : memref<16x1024xf32, #tpu.memory_space<hbm>>) target_semaphore(%arg18 : memref<!tpu.dma_semaphore, #tpu.memory_space<semaphore_mem>>)
    %dma_wait3A_353 = arith.constant 4 : i32
    %dma_wait3A_354 = arith.constant 0 : i32
    %dma_wait3A_355 = arith.constant 0 : i32
    %dma_wait3A_356 = tpu.memref_slice %arg6[%dma_wait3A_353, %dma_wait3A_354, %dma_wait3A_355] : memref<6x16x1024xf32, #tpu.memory_space<vmem>> -> memref<1x16x1024xf32, #tpu.memory_space<vmem>>
    %dma_wait3A_357 = tpu.memref_squeeze %dma_wait3A_356 : memref<1x16x1024xf32, #tpu.memory_space<vmem>> -> memref<16x1024xf32, #tpu.memory_space<vmem>>
    %dma_wait3A_358 = arith.constant 0 : i32
    %dma_wait3A_359 = tpu.memref_slice %arg4[%select_n3A, %add3A_285, %dma_wait3A_358] : memref<2x4096x1024xf32, #tpu.memory_space<hbm>> -> memref<1x16x1024xf32, #tpu.memory_space<hbm>>
    %dma_wait3A_360 = tpu.memref_squeeze %dma_wait3A_359 : memref<1x16x1024xf32, #tpu.memory_space<hbm>> -> memref<16x1024xf32, #tpu.memory_space<hbm>>
    %dma_wait3A_361 = arith.constant 0 : i32
    %dma_wait3A_362 = tpu.memref_slice %arg4[%select_n3A, %add3A_285, %dma_wait3A_361] : memref<2x4096x1024xf32, #tpu.memory_space<hbm>> -> memref<1x16x1024xf32, #tpu.memory_space<hbm>>
    %dma_wait3A_363 = tpu.memref_squeeze %dma_wait3A_362 : memref<1x16x1024xf32, #tpu.memory_space<hbm>> -> memref<16x1024xf32, #tpu.memory_space<hbm>>
    %dma_wait3A_364 = arith.constant 0 : i32
    %dma_wait3A_365 = arith.constant 0 : i32
    %dma_wait3A_366 = tpu.memref_slice %arg6[%dma_wait3A_353, %dma_wait3A_364, %dma_wait3A_365] : memref<6x16x1024xf32, #tpu.memory_space<vmem>> -> memref<1x16x1024xf32, #tpu.memory_space<vmem>>
    %dma_wait3A_367 = tpu.memref_squeeze %dma_wait3A_366 : memref<1x16x1024xf32, #tpu.memory_space<vmem>> -> memref<16x1024xf32, #tpu.memory_space<vmem>>
    tpu.wait_dma2 semaphore(%arg17 : memref<!tpu.dma_semaphore, #tpu.memory_space<semaphore_mem>>) src(%dma_wait3A_367 : memref<16x1024xf32, #tpu.memory_space<vmem>>) dst(%dma_wait3A_363 : memref<16x1024xf32, #tpu.memory_space<hbm>>)
    %dma_start3A_368 = arith.constant 4 : i32
    %dma_start3A_369 = arith.constant 0 : i32
    %dma_start3A_370 = arith.constant 0 : i32
    %dma_start3A_371 = tpu.memref_slice %arg6[%dma_start3A_368, %dma_start3A_369, %dma_start3A_370] : memref<6x16x1024xf32, #tpu.memory_space<vmem>> -> memref<1x16x1024xf32, #tpu.memory_space<vmem>>
    %dma_start3A_372 = tpu.memref_squeeze %dma_start3A_371 : memref<1x16x1024xf32, #tpu.memory_space<vmem>> -> memref<16x1024xf32, #tpu.memory_space<vmem>>
    %dma_start3A_373 = arith.constant 160 : i32
    %dma_start3A_374 = tpu.memref_slice %arg5[%dma_start3A_373] : memref<256xi32, #tpu.memory_space<vmem>> -> memref<16xi32, #tpu.memory_space<vmem>>
    %dma_start3A_375 = arith.constant 0 : i32
    %dma_start3A_376 = arith.constant 0 : i32
    %dma_start3A_377 = tpu.memref_slice %arg3[%dma_start3A_375, %dma_start3A_376] : memref<100000x1024xf32, #tpu.memory_space<hbm>> -> memref<100000x1024xf32, #tpu.memory_space<hbm>>
    tpu.enqueue_indirect_dma source(%dma_start3A_377 : memref<100000x1024xf32, #tpu.memory_space<hbm>>) target(%dma_start3A_372 : memref<16x1024xf32, #tpu.memory_space<vmem>>) offsets(%dma_start3A_374 : memref<16xi32, #tpu.memory_space<vmem>>) semaphore(%arg11 : memref<!tpu.dma_semaphore, #tpu.memory_space<semaphore_mem>>)
    %dma_wait3A_378 = arith.constant 0 : i32
    %dma_wait3A_379 = arith.constant 0 : i32
    %dma_wait3A_380 = arith.constant 0 : i32
    %dma_wait3A_381 = tpu.memref_slice %arg6[%dma_wait3A_378, %dma_wait3A_379, %dma_wait3A_380] : memref<6x16x1024xf32, #tpu.memory_space<vmem>> -> memref<1x16x1024xf32, #tpu.memory_space<vmem>>
    %dma_wait3A_382 = tpu.memref_squeeze %dma_wait3A_381 : memref<1x16x1024xf32, #tpu.memory_space<vmem>> -> memref<16x1024xf32, #tpu.memory_space<vmem>>
    %dma_wait3A_383 = arith.constant 96 : i32
    %dma_wait3A_384 = tpu.memref_slice %arg5[%dma_wait3A_383] : memref<256xi32, #tpu.memory_space<vmem>> -> memref<16xi32, #tpu.memory_space<vmem>>
    %dma_wait3A_385 = arith.constant 0 : i32
    %dma_wait3A_386 = arith.constant 0 : i32
    %dma_wait3A_387 = tpu.memref_slice %arg3[%dma_wait3A_385, %dma_wait3A_386] : memref<100000x1024xf32, #tpu.memory_space<hbm>> -> memref<100000x1024xf32, #tpu.memory_space<hbm>>
    tpu.wait_indirect_dma semaphore(%arg7 : memref<!tpu.dma_semaphore, #tpu.memory_space<semaphore_mem>>) src(%dma_wait3A_387 : memref<100000x1024xf32, #tpu.memory_space<hbm>>) dst(%dma_wait3A_382 : memref<16x1024xf32, #tpu.memory_space<vmem>>)
    %add3A_388 = arith.constant 96 : i32
    %add3A_389 = arith.addi %mul3A_32, %add3A_388 : i32
    %dma_start3A_390 = arith.constant 0 : i32
    %dma_start3A_391 = arith.constant 0 : i32
    %dma_start3A_392 = arith.constant 0 : i32
    %dma_start3A_393 = tpu.memref_slice %arg6[%dma_start3A_390, %dma_start3A_391, %dma_start3A_392] : memref<6x16x1024xf32, #tpu.memory_space<vmem>> -> memref<1x16x1024xf32, #tpu.memory_space<vmem>>
    %dma_start3A_394 = tpu.memref_squeeze %dma_start3A_393 : memref<1x16x1024xf32, #tpu.memory_space<vmem>> -> memref<16x1024xf32, #tpu.memory_space<vmem>>
    %dma_start3A_395 = arith.constant 0 : i32
    %dma_start3A_396 = tpu.memref_slice %arg4[%select_n3A, %add3A_389, %dma_start3A_395] : memref<2x4096x1024xf32, #tpu.memory_space<hbm>> -> memref<1x16x1024xf32, #tpu.memory_space<hbm>>
    %dma_start3A_397 = tpu.memref_squeeze %dma_start3A_396 : memref<1x16x1024xf32, #tpu.memory_space<hbm>> -> memref<16x1024xf32, #tpu.memory_space<hbm>>
    %dma_start3A_398 = arith.constant 0 : i32
    %dma_start3A_399 = tpu.memref_slice %arg4[%select_n3A, %add3A_389, %dma_start3A_398] : memref<2x4096x1024xf32, #tpu.memory_space<hbm>> -> memref<1x16x1024xf32, #tpu.memory_space<hbm>>
    %dma_start3A_400 = tpu.memref_squeeze %dma_start3A_399 : memref<1x16x1024xf32, #tpu.memory_space<hbm>> -> memref<16x1024xf32, #tpu.memory_space<hbm>>
    %dma_start3A_401 = arith.constant 0 : i32
    %dma_start3A_402 = arith.constant 0 : i32
    %dma_start3A_403 = tpu.memref_slice %arg6[%dma_start3A_390, %dma_start3A_401, %dma_start3A_402] : memref<6x16x1024xf32, #tpu.memory_space<vmem>> -> memref<1x16x1024xf32, #tpu.memory_space<vmem>>
    %dma_start3A_404 = tpu.memref_squeeze %dma_start3A_403 : memref<1x16x1024xf32, #tpu.memory_space<vmem>> -> memref<16x1024xf32, #tpu.memory_space<vmem>>
    tpu.enqueue_dma source(%dma_start3A_404 : memref<16x1024xf32, #tpu.memory_space<vmem>>) target(%dma_start3A_400 : memref<16x1024xf32, #tpu.memory_space<hbm>>) target_semaphore(%arg13 : memref<!tpu.dma_semaphore, #tpu.memory_space<semaphore_mem>>)
    %dma_wait3A_405 = arith.constant 5 : i32
    %dma_wait3A_406 = arith.constant 0 : i32
    %dma_wait3A_407 = arith.constant 0 : i32
    %dma_wait3A_408 = tpu.memref_slice %arg6[%dma_wait3A_405, %dma_wait3A_406, %dma_wait3A_407] : memref<6x16x1024xf32, #tpu.memory_space<vmem>> -> memref<1x16x1024xf32, #tpu.memory_space<vmem>>
    %dma_wait3A_409 = tpu.memref_squeeze %dma_wait3A_408 : memref<1x16x1024xf32, #tpu.memory_space<vmem>> -> memref<16x1024xf32, #tpu.memory_space<vmem>>
    %dma_wait3A_410 = arith.constant 0 : i32
    %dma_wait3A_411 = tpu.memref_slice %arg4[%select_n3A, %add3A_337, %dma_wait3A_410] : memref<2x4096x1024xf32, #tpu.memory_space<hbm>> -> memref<1x16x1024xf32, #tpu.memory_space<hbm>>
    %dma_wait3A_412 = tpu.memref_squeeze %dma_wait3A_411 : memref<1x16x1024xf32, #tpu.memory_space<hbm>> -> memref<16x1024xf32, #tpu.memory_space<hbm>>
    %dma_wait3A_413 = arith.constant 0 : i32
    %dma_wait3A_414 = tpu.memref_slice %arg4[%select_n3A, %add3A_337, %dma_wait3A_413] : memref<2x4096x1024xf32, #tpu.memory_space<hbm>> -> memref<1x16x1024xf32, #tpu.memory_space<hbm>>
    %dma_wait3A_415 = tpu.memref_squeeze %dma_wait3A_414 : memref<1x16x1024xf32, #tpu.memory_space<hbm>> -> memref<16x1024xf32, #tpu.memory_space<hbm>>
    %dma_wait3A_416 = arith.constant 0 : i32
    %dma_wait3A_417 = arith.constant 0 : i32
    %dma_wait3A_418 = tpu.memref_slice %arg6[%dma_wait3A_405, %dma_wait3A_416, %dma_wait3A_417] : memref<6x16x1024xf32, #tpu.memory_space<vmem>> -> memref<1x16x1024xf32, #tpu.memory_space<vmem>>
    %dma_wait3A_419 = tpu.memref_squeeze %dma_wait3A_418 : memref<1x16x1024xf32, #tpu.memory_space<vmem>> -> memref<16x1024xf32, #tpu.memory_space<vmem>>
    tpu.wait_dma2 semaphore(%arg18 : memref<!tpu.dma_semaphore, #tpu.memory_space<semaphore_mem>>) src(%dma_wait3A_419 : memref<16x1024xf32, #tpu.memory_space<vmem>>) dst(%dma_wait3A_415 : memref<16x1024xf32, #tpu.memory_space<hbm>>)
    %dma_start3A_420 = arith.constant 5 : i32
    %dma_start3A_421 = arith.constant 0 : i32
    %dma_start3A_422 = arith.constant 0 : i32
    %dma_start3A_423 = tpu.memref_slice %arg6[%dma_start3A_420, %dma_start3A_421, %dma_start3A_422] : memref<6x16x1024xf32, #tpu.memory_space<vmem>> -> memref<1x16x1024xf32, #tpu.memory_space<vmem>>
    %dma_start3A_424 = tpu.memref_squeeze %dma_start3A_423 : memref<1x16x1024xf32, #tpu.memory_space<vmem>> -> memref<16x1024xf32, #tpu.memory_space<vmem>>
    %dma_start3A_425 = arith.constant 176 : i32
    %dma_start3A_426 = tpu.memref_slice %arg5[%dma_start3A_425] : memref<256xi32, #tpu.memory_space<vmem>> -> memref<16xi32, #tpu.memory_space<vmem>>
    %dma_start3A_427 = arith.constant 0 : i32
    %dma_start3A_428 = arith.constant 0 : i32
    %dma_start3A_429 = tpu.memref_slice %arg3[%dma_start3A_427, %dma_start3A_428] : memref<100000x1024xf32, #tpu.memory_space<hbm>> -> memref<100000x1024xf32, #tpu.memory_space<hbm>>
    tpu.enqueue_indirect_dma source(%dma_start3A_429 : memref<100000x1024xf32, #tpu.memory_space<hbm>>) target(%dma_start3A_424 : memref<16x1024xf32, #tpu.memory_space<vmem>>) offsets(%dma_start3A_426 : memref<16xi32, #tpu.memory_space<vmem>>) semaphore(%arg12 : memref<!tpu.dma_semaphore, #tpu.memory_space<semaphore_mem>>)
    %dma_wait3A_430 = arith.constant 1 : i32
    %dma_wait3A_431 = arith.constant 0 : i32
    %dma_wait3A_432 = arith.constant 0 : i32
    %dma_wait3A_433 = tpu.memref_slice %arg6[%dma_wait3A_430, %dma_wait3A_431, %dma_wait3A_432] : memref<6x16x1024xf32, #tpu.memory_space<vmem>> -> memref<1x16x1024xf32, #tpu.memory_space<vmem>>
    %dma_wait3A_434 = tpu.memref_squeeze %dma_wait3A_433 : memref<1x16x1024xf32, #tpu.memory_space<vmem>> -> memref<16x1024xf32, #tpu.memory_space<vmem>>
    %dma_wait3A_435 = arith.constant 112 : i32
    %dma_wait3A_436 = tpu.memref_slice %arg5[%dma_wait3A_435] : memref<256xi32, #tpu.memory_space<vmem>> -> memref<16xi32, #tpu.memory_space<vmem>>
    %dma_wait3A_437 = arith.constant 0 : i32
    %dma_wait3A_438 = arith.constant 0 : i32
    %dma_wait3A_439 = tpu.memref_slice %arg3[%dma_wait3A_437, %dma_wait3A_438] : memref<100000x1024xf32, #tpu.memory_space<hbm>> -> memref<100000x1024xf32, #tpu.memory_space<hbm>>
    tpu.wait_indirect_dma semaphore(%arg8 : memref<!tpu.dma_semaphore, #tpu.memory_space<semaphore_mem>>) src(%dma_wait3A_439 : memref<100000x1024xf32, #tpu.memory_space<hbm>>) dst(%dma_wait3A_434 : memref<16x1024xf32, #tpu.memory_space<vmem>>)
    %add3A_440 = arith.constant 112 : i32
    %add3A_441 = arith.addi %mul3A_32, %add3A_440 : i32
    %dma_start3A_442 = arith.constant 1 : i32
    %dma_start3A_443 = arith.constant 0 : i32
    %dma_start3A_444 = arith.constant 0 : i32
    %dma_start3A_445 = tpu.memref_slice %arg6[%dma_start3A_442, %dma_start3A_443, %dma_start3A_444] : memref<6x16x1024xf32, #tpu.memory_space<vmem>> -> memref<1x16x1024xf32, #tpu.memory_space<vmem>>
    %dma_start3A_446 = tpu.memref_squeeze %dma_start3A_445 : memref<1x16x1024xf32, #tpu.memory_space<vmem>> -> memref<16x1024xf32, #tpu.memory_space<vmem>>
    %dma_start3A_447 = arith.constant 0 : i32
    %dma_start3A_448 = tpu.memref_slice %arg4[%select_n3A, %add3A_441, %dma_start3A_447] : memref<2x4096x1024xf32, #tpu.memory_space<hbm>> -> memref<1x16x1024xf32, #tpu.memory_space<hbm>>
    %dma_start3A_449 = tpu.memref_squeeze %dma_start3A_448 : memref<1x16x1024xf32, #tpu.memory_space<hbm>> -> memref<16x1024xf32, #tpu.memory_space<hbm>>
    %dma_start3A_450 = arith.constant 0 : i32
    %dma_start3A_451 = tpu.memref_slice %arg4[%select_n3A, %add3A_441, %dma_start3A_450] : memref<2x4096x1024xf32, #tpu.memory_space<hbm>> -> memref<1x16x1024xf32, #tpu.memory_space<hbm>>
    %dma_start3A_452 = tpu.memref_squeeze %dma_start3A_451 : memref<1x16x1024xf32, #tpu.memory_space<hbm>> -> memref<16x1024xf32, #tpu.memory_space<hbm>>
    %dma_start3A_453 = arith.constant 0 : i32
    %dma_start3A_454 = arith.constant 0 : i32
    %dma_start3A_455 = tpu.memref_slice %arg6[%dma_start3A_442, %dma_start3A_453, %dma_start3A_454] : memref<6x16x1024xf32, #tpu.memory_space<vmem>> -> memref<1x16x1024xf32, #tpu.memory_space<vmem>>
    %dma_start3A_456 = tpu.memref_squeeze %dma_start3A_455 : memref<1x16x1024xf32, #tpu.memory_space<vmem>> -> memref<16x1024xf32, #tpu.memory_space<vmem>>
    tpu.enqueue_dma source(%dma_start3A_456 : memref<16x1024xf32, #tpu.memory_space<vmem>>) target(%dma_start3A_452 : memref<16x1024xf32, #tpu.memory_space<hbm>>) target_semaphore(%arg14 : memref<!tpu.dma_semaphore, #tpu.memory_space<semaphore_mem>>)
    %dma_wait3A_457 = arith.constant 0 : i32
    %dma_wait3A_458 = arith.constant 0 : i32
    %dma_wait3A_459 = arith.constant 0 : i32
    %dma_wait3A_460 = tpu.memref_slice %arg6[%dma_wait3A_457, %dma_wait3A_458, %dma_wait3A_459] : memref<6x16x1024xf32, #tpu.memory_space<vmem>> -> memref<1x16x1024xf32, #tpu.memory_space<vmem>>
    %dma_wait3A_461 = tpu.memref_squeeze %dma_wait3A_460 : memref<1x16x1024xf32, #tpu.memory_space<vmem>> -> memref<16x1024xf32, #tpu.memory_space<vmem>>
    %dma_wait3A_462 = arith.constant 0 : i32
    %dma_wait3A_463 = tpu.memref_slice %arg4[%select_n3A, %add3A_389, %dma_wait3A_462] : memref<2x4096x1024xf32, #tpu.memory_space<hbm>> -> memref<1x16x1024xf32, #tpu.memory_space<hbm>>
    %dma_wait3A_464 = tpu.memref_squeeze %dma_wait3A_463 : memref<1x16x1024xf32, #tpu.memory_space<hbm>> -> memref<16x1024xf32, #tpu.memory_space<hbm>>
    %dma_wait3A_465 = arith.constant 0 : i32
    %dma_wait3A_466 = tpu.memref_slice %arg4[%select_n3A, %add3A_389, %dma_wait3A_465] : memref<2x4096x1024xf32, #tpu.memory_space<hbm>> -> memref<1x16x1024xf32, #tpu.memory_space<hbm>>
    %dma_wait3A_467 = tpu.memref_squeeze %dma_wait3A_466 : memref<1x16x1024xf32, #tpu.memory_space<hbm>> -> memref<16x1024xf32, #tpu.memory_space<hbm>>
    %dma_wait3A_468 = arith.constant 0 : i32
    %dma_wait3A_469 = arith.constant 0 : i32
    %dma_wait3A_470 = tpu.memref_slice %arg6[%dma_wait3A_457, %dma_wait3A_468, %dma_wait3A_469] : memref<6x16x1024xf32, #tpu.memory_space<vmem>> -> memref<1x16x1024xf32, #tpu.memory_space<vmem>>
    %dma_wait3A_471 = tpu.memref_squeeze %dma_wait3A_470 : memref<1x16x1024xf32, #tpu.memory_space<vmem>> -> memref<16x1024xf32, #tpu.memory_space<vmem>>
    tpu.wait_dma2 semaphore(%arg13 : memref<!tpu.dma_semaphore, #tpu.memory_space<semaphore_mem>>) src(%dma_wait3A_471 : memref<16x1024xf32, #tpu.memory_space<vmem>>) dst(%dma_wait3A_467 : memref<16x1024xf32, #tpu.memory_space<hbm>>)
    %dma_start3A_472 = arith.constant 0 : i32
    %dma_start3A_473 = arith.constant 0 : i32
    %dma_start3A_474 = arith.constant 0 : i32
    %dma_start3A_475 = tpu.memref_slice %arg6[%dma_start3A_472, %dma_start3A_473, %dma_start3A_474] : memref<6x16x1024xf32, #tpu.memory_space<vmem>> -> memref<1x16x1024xf32, #tpu.memory_space<vmem>>
    %dma_start3A_476 = tpu.memref_squeeze %dma_start3A_475 : memref<1x16x1024xf32, #tpu.memory_space<vmem>> -> memref<16x1024xf32, #tpu.memory_space<vmem>>
    %dma_start3A_477 = arith.constant 192 : i32
    %dma_start3A_478 = tpu.memref_slice %arg5[%dma_start3A_477] : memref<256xi32, #tpu.memory_space<vmem>> -> memref<16xi32, #tpu.memory_space<vmem>>
    %dma_start3A_479 = arith.constant 0 : i32
    %dma_start3A_480 = arith.constant 0 : i32
    %dma_start3A_481 = tpu.memref_slice %arg3[%dma_start3A_479, %dma_start3A_480] : memref<100000x1024xf32, #tpu.memory_space<hbm>> -> memref<100000x1024xf32, #tpu.memory_space<hbm>>
    tpu.enqueue_indirect_dma source(%dma_start3A_481 : memref<100000x1024xf32, #tpu.memory_space<hbm>>) target(%dma_start3A_476 : memref<16x1024xf32, #tpu.memory_space<vmem>>) offsets(%dma_start3A_478 : memref<16xi32, #tpu.memory_space<vmem>>) semaphore(%arg7 : memref<!tpu.dma_semaphore, #tpu.memory_space<semaphore_mem>>)
    %dma_wait3A_482 = arith.constant 2 : i32
    %dma_wait3A_483 = arith.constant 0 : i32
    %dma_wait3A_484 = arith.constant 0 : i32
    %dma_wait3A_485 = tpu.memref_slice %arg6[%dma_wait3A_482, %dma_wait3A_483, %dma_wait3A_484] : memref<6x16x1024xf32, #tpu.memory_space<vmem>> -> memref<1x16x1024xf32, #tpu.memory_space<vmem>>
    %dma_wait3A_486 = tpu.memref_squeeze %dma_wait3A_485 : memref<1x16x1024xf32, #tpu.memory_space<vmem>> -> memref<16x1024xf32, #tpu.memory_space<vmem>>
    %dma_wait3A_487 = arith.constant 128 : i32
    %dma_wait3A_488 = tpu.memref_slice %arg5[%dma_wait3A_487] : memref<256xi32, #tpu.memory_space<vmem>> -> memref<16xi32, #tpu.memory_space<vmem>>
    %dma_wait3A_489 = arith.constant 0 : i32
    %dma_wait3A_490 = arith.constant 0 : i32
    %dma_wait3A_491 = tpu.memref_slice %arg3[%dma_wait3A_489, %dma_wait3A_490] : memref<100000x1024xf32, #tpu.memory_space<hbm>> -> memref<100000x1024xf32, #tpu.memory_space<hbm>>
    tpu.wait_indirect_dma semaphore(%arg9 : memref<!tpu.dma_semaphore, #tpu.memory_space<semaphore_mem>>) src(%dma_wait3A_491 : memref<100000x1024xf32, #tpu.memory_space<hbm>>) dst(%dma_wait3A_486 : memref<16x1024xf32, #tpu.memory_space<vmem>>)
    %add3A_492 = arith.constant 128 : i32
    %add3A_493 = arith.addi %mul3A_32, %add3A_492 : i32
    %dma_start3A_494 = arith.constant 2 : i32
    %dma_start3A_495 = arith.constant 0 : i32
    %dma_start3A_496 = arith.constant 0 : i32
    %dma_start3A_497 = tpu.memref_slice %arg6[%dma_start3A_494, %dma_start3A_495, %dma_start3A_496] : memref<6x16x1024xf32, #tpu.memory_space<vmem>> -> memref<1x16x1024xf32, #tpu.memory_space<vmem>>
    %dma_start3A_498 = tpu.memref_squeeze %dma_start3A_497 : memref<1x16x1024xf32, #tpu.memory_space<vmem>> -> memref<16x1024xf32, #tpu.memory_space<vmem>>
    %dma_start3A_499 = arith.constant 0 : i32
    %dma_start3A_500 = tpu.memref_slice %arg4[%select_n3A, %add3A_493, %dma_start3A_499] : memref<2x4096x1024xf32, #tpu.memory_space<hbm>> -> memref<1x16x1024xf32, #tpu.memory_space<hbm>>
    %dma_start3A_501 = tpu.memref_squeeze %dma_start3A_500 : memref<1x16x1024xf32, #tpu.memory_space<hbm>> -> memref<16x1024xf32, #tpu.memory_space<hbm>>
    %dma_start3A_502 = arith.constant 0 : i32
    %dma_start3A_503 = tpu.memref_slice %arg4[%select_n3A, %add3A_493, %dma_start3A_502] : memref<2x4096x1024xf32, #tpu.memory_space<hbm>> -> memref<1x16x1024xf32, #tpu.memory_space<hbm>>
    %dma_start3A_504 = tpu.memref_squeeze %dma_start3A_503 : memref<1x16x1024xf32, #tpu.memory_space<hbm>> -> memref<16x1024xf32, #tpu.memory_space<hbm>>
    %dma_start3A_505 = arith.constant 0 : i32
    %dma_start3A_506 = arith.constant 0 : i32
    %dma_start3A_507 = tpu.memref_slice %arg6[%dma_start3A_494, %dma_start3A_505, %dma_start3A_506] : memref<6x16x1024xf32, #tpu.memory_space<vmem>> -> memref<1x16x1024xf32, #tpu.memory_space<vmem>>
    %dma_start3A_508 = tpu.memref_squeeze %dma_start3A_507 : memref<1x16x1024xf32, #tpu.memory_space<vmem>> -> memref<16x1024xf32, #tpu.memory_space<vmem>>
    tpu.enqueue_dma source(%dma_start3A_508 : memref<16x1024xf32, #tpu.memory_space<vmem>>) target(%dma_start3A_504 : memref<16x1024xf32, #tpu.memory_space<hbm>>) target_semaphore(%arg15 : memref<!tpu.dma_semaphore, #tpu.memory_space<semaphore_mem>>)
    %dma_wait3A_509 = arith.constant 1 : i32
    %dma_wait3A_510 = arith.constant 0 : i32
    %dma_wait3A_511 = arith.constant 0 : i32
    %dma_wait3A_512 = tpu.memref_slice %arg6[%dma_wait3A_509, %dma_wait3A_510, %dma_wait3A_511] : memref<6x16x1024xf32, #tpu.memory_space<vmem>> -> memref<1x16x1024xf32, #tpu.memory_space<vmem>>
    %dma_wait3A_513 = tpu.memref_squeeze %dma_wait3A_512 : memref<1x16x1024xf32, #tpu.memory_space<vmem>> -> memref<16x1024xf32, #tpu.memory_space<vmem>>
    %dma_wait3A_514 = arith.constant 0 : i32
    %dma_wait3A_515 = tpu.memref_slice %arg4[%select_n3A, %add3A_441, %dma_wait3A_514] : memref<2x4096x1024xf32, #tpu.memory_space<hbm>> -> memref<1x16x1024xf32, #tpu.memory_space<hbm>>
    %dma_wait3A_516 = tpu.memref_squeeze %dma_wait3A_515 : memref<1x16x1024xf32, #tpu.memory_space<hbm>> -> memref<16x1024xf32, #tpu.memory_space<hbm>>
    %dma_wait3A_517 = arith.constant 0 : i32
    %dma_wait3A_518 = tpu.memref_slice %arg4[%select_n3A, %add3A_441, %dma_wait3A_517] : memref<2x4096x1024xf32, #tpu.memory_space<hbm>> -> memref<1x16x1024xf32, #tpu.memory_space<hbm>>
    %dma_wait3A_519 = tpu.memref_squeeze %dma_wait3A_518 : memref<1x16x1024xf32, #tpu.memory_space<hbm>> -> memref<16x1024xf32, #tpu.memory_space<hbm>>
    %dma_wait3A_520 = arith.constant 0 : i32
    %dma_wait3A_521 = arith.constant 0 : i32
    %dma_wait3A_522 = tpu.memref_slice %arg6[%dma_wait3A_509, %dma_wait3A_520, %dma_wait3A_521] : memref<6x16x1024xf32, #tpu.memory_space<vmem>> -> memref<1x16x1024xf32, #tpu.memory_space<vmem>>
    %dma_wait3A_523 = tpu.memref_squeeze %dma_wait3A_522 : memref<1x16x1024xf32, #tpu.memory_space<vmem>> -> memref<16x1024xf32, #tpu.memory_space<vmem>>
    tpu.wait_dma2 semaphore(%arg14 : memref<!tpu.dma_semaphore, #tpu.memory_space<semaphore_mem>>) src(%dma_wait3A_523 : memref<16x1024xf32, #tpu.memory_space<vmem>>) dst(%dma_wait3A_519 : memref<16x1024xf32, #tpu.memory_space<hbm>>)
    %dma_start3A_524 = arith.constant 1 : i32
    %dma_start3A_525 = arith.constant 0 : i32
    %dma_start3A_526 = arith.constant 0 : i32
    %dma_start3A_527 = tpu.memref_slice %arg6[%dma_start3A_524, %dma_start3A_525, %dma_start3A_526] : memref<6x16x1024xf32, #tpu.memory_space<vmem>> -> memref<1x16x1024xf32, #tpu.memory_space<vmem>>
    %dma_start3A_528 = tpu.memref_squeeze %dma_start3A_527 : memref<1x16x1024xf32, #tpu.memory_space<vmem>> -> memref<16x1024xf32, #tpu.memory_space<vmem>>
    %dma_start3A_529 = arith.constant 208 : i32
    %dma_start3A_530 = tpu.memref_slice %arg5[%dma_start3A_529] : memref<256xi32, #tpu.memory_space<vmem>> -> memref<16xi32, #tpu.memory_space<vmem>>
    %dma_start3A_531 = arith.constant 0 : i32
    %dma_start3A_532 = arith.constant 0 : i32
    %dma_start3A_533 = tpu.memref_slice %arg3[%dma_start3A_531, %dma_start3A_532] : memref<100000x1024xf32, #tpu.memory_space<hbm>> -> memref<100000x1024xf32, #tpu.memory_space<hbm>>
    tpu.enqueue_indirect_dma source(%dma_start3A_533 : memref<100000x1024xf32, #tpu.memory_space<hbm>>) target(%dma_start3A_528 : memref<16x1024xf32, #tpu.memory_space<vmem>>) offsets(%dma_start3A_530 : memref<16xi32, #tpu.memory_space<vmem>>) semaphore(%arg8 : memref<!tpu.dma_semaphore, #tpu.memory_space<semaphore_mem>>)
    %dma_wait3A_534 = arith.constant 3 : i32
    %dma_wait3A_535 = arith.constant 0 : i32
    %dma_wait3A_536 = arith.constant 0 : i32
    %dma_wait3A_537 = tpu.memref_slice %arg6[%dma_wait3A_534, %dma_wait3A_535, %dma_wait3A_536] : memref<6x16x1024xf32, #tpu.memory_space<vmem>> -> memref<1x16x1024xf32, #tpu.memory_space<vmem>>
    %dma_wait3A_538 = tpu.memref_squeeze %dma_wait3A_537 : memref<1x16x1024xf32, #tpu.memory_space<vmem>> -> memref<16x1024xf32, #tpu.memory_space<vmem>>
    %dma_wait3A_539 = arith.constant 144 : i32
    %dma_wait3A_540 = tpu.memref_slice %arg5[%dma_wait3A_539] : memref<256xi32, #tpu.memory_space<vmem>> -> memref<16xi32, #tpu.memory_space<vmem>>
    %dma_wait3A_541 = arith.constant 0 : i32
    %dma_wait3A_542 = arith.constant 0 : i32
    %dma_wait3A_543 = tpu.memref_slice %arg3[%dma_wait3A_541, %dma_wait3A_542] : memref<100000x1024xf32, #tpu.memory_space<hbm>> -> memref<100000x1024xf32, #tpu.memory_space<hbm>>
    tpu.wait_indirect_dma semaphore(%arg10 : memref<!tpu.dma_semaphore, #tpu.memory_space<semaphore_mem>>) src(%dma_wait3A_543 : memref<100000x1024xf32, #tpu.memory_space<hbm>>) dst(%dma_wait3A_538 : memref<16x1024xf32, #tpu.memory_space<vmem>>)
    %add3A_544 = arith.constant 144 : i32
    %add3A_545 = arith.addi %mul3A_32, %add3A_544 : i32
    %dma_start3A_546 = arith.constant 3 : i32
    %dma_start3A_547 = arith.constant 0 : i32
    %dma_start3A_548 = arith.constant 0 : i32
    %dma_start3A_549 = tpu.memref_slice %arg6[%dma_start3A_546, %dma_start3A_547, %dma_start3A_548] : memref<6x16x1024xf32, #tpu.memory_space<vmem>> -> memref<1x16x1024xf32, #tpu.memory_space<vmem>>
    %dma_start3A_550 = tpu.memref_squeeze %dma_start3A_549 : memref<1x16x1024xf32, #tpu.memory_space<vmem>> -> memref<16x1024xf32, #tpu.memory_space<vmem>>
    %dma_start3A_551 = arith.constant 0 : i32
    %dma_start3A_552 = tpu.memref_slice %arg4[%select_n3A, %add3A_545, %dma_start3A_551] : memref<2x4096x1024xf32, #tpu.memory_space<hbm>> -> memref<1x16x1024xf32, #tpu.memory_space<hbm>>
    %dma_start3A_553 = tpu.memref_squeeze %dma_start3A_552 : memref<1x16x1024xf32, #tpu.memory_space<hbm>> -> memref<16x1024xf32, #tpu.memory_space<hbm>>
    %dma_start3A_554 = arith.constant 0 : i32
    %dma_start3A_555 = tpu.memref_slice %arg4[%select_n3A, %add3A_545, %dma_start3A_554] : memref<2x4096x1024xf32, #tpu.memory_space<hbm>> -> memref<1x16x1024xf32, #tpu.memory_space<hbm>>
    %dma_start3A_556 = tpu.memref_squeeze %dma_start3A_555 : memref<1x16x1024xf32, #tpu.memory_space<hbm>> -> memref<16x1024xf32, #tpu.memory_space<hbm>>
    %dma_start3A_557 = arith.constant 0 : i32
    %dma_start3A_558 = arith.constant 0 : i32
    %dma_start3A_559 = tpu.memref_slice %arg6[%dma_start3A_546, %dma_start3A_557, %dma_start3A_558] : memref<6x16x1024xf32, #tpu.memory_space<vmem>> -> memref<1x16x1024xf32, #tpu.memory_space<vmem>>
    %dma_start3A_560 = tpu.memref_squeeze %dma_start3A_559 : memref<1x16x1024xf32, #tpu.memory_space<vmem>> -> memref<16x1024xf32, #tpu.memory_space<vmem>>
    tpu.enqueue_dma source(%dma_start3A_560 : memref<16x1024xf32, #tpu.memory_space<vmem>>) target(%dma_start3A_556 : memref<16x1024xf32, #tpu.memory_space<hbm>>) target_semaphore(%arg16 : memref<!tpu.dma_semaphore, #tpu.memory_space<semaphore_mem>>)
    %dma_wait3A_561 = arith.constant 2 : i32
    %dma_wait3A_562 = arith.constant 0 : i32
    %dma_wait3A_563 = arith.constant 0 : i32
    %dma_wait3A_564 = tpu.memref_slice %arg6[%dma_wait3A_561, %dma_wait3A_562, %dma_wait3A_563] : memref<6x16x1024xf32, #tpu.memory_space<vmem>> -> memref<1x16x1024xf32, #tpu.memory_space<vmem>>
    %dma_wait3A_565 = tpu.memref_squeeze %dma_wait3A_564 : memref<1x16x1024xf32, #tpu.memory_space<vmem>> -> memref<16x1024xf32, #tpu.memory_space<vmem>>
    %dma_wait3A_566 = arith.constant 0 : i32
    %dma_wait3A_567 = tpu.memref_slice %arg4[%select_n3A, %add3A_493, %dma_wait3A_566] : memref<2x4096x1024xf32, #tpu.memory_space<hbm>> -> memref<1x16x1024xf32, #tpu.memory_space<hbm>>
    %dma_wait3A_568 = tpu.memref_squeeze %dma_wait3A_567 : memref<1x16x1024xf32, #tpu.memory_space<hbm>> -> memref<16x1024xf32, #tpu.memory_space<hbm>>
    %dma_wait3A_569 = arith.constant 0 : i32
    %dma_wait3A_570 = tpu.memref_slice %arg4[%select_n3A, %add3A_493, %dma_wait3A_569] : memref<2x4096x1024xf32, #tpu.memory_space<hbm>> -> memref<1x16x1024xf32, #tpu.memory_space<hbm>>
    %dma_wait3A_571 = tpu.memref_squeeze %dma_wait3A_570 : memref<1x16x1024xf32, #tpu.memory_space<hbm>> -> memref<16x1024xf32, #tpu.memory_space<hbm>>
    %dma_wait3A_572 = arith.constant 0 : i32
    %dma_wait3A_573 = arith.constant 0 : i32
    %dma_wait3A_574 = tpu.memref_slice %arg6[%dma_wait3A_561, %dma_wait3A_572, %dma_wait3A_573] : memref<6x16x1024xf32, #tpu.memory_space<vmem>> -> memref<1x16x1024xf32, #tpu.memory_space<vmem>>
    %dma_wait3A_575 = tpu.memref_squeeze %dma_wait3A_574 : memref<1x16x1024xf32, #tpu.memory_space<vmem>> -> memref<16x1024xf32, #tpu.memory_space<vmem>>
    tpu.wait_dma2 semaphore(%arg15 : memref<!tpu.dma_semaphore, #tpu.memory_space<semaphore_mem>>) src(%dma_wait3A_575 : memref<16x1024xf32, #tpu.memory_space<vmem>>) dst(%dma_wait3A_571 : memref<16x1024xf32, #tpu.memory_space<hbm>>)
    %dma_start3A_576 = arith.constant 2 : i32
    %dma_start3A_577 = arith.constant 0 : i32
    %dma_start3A_578 = arith.constant 0 : i32
    %dma_start3A_579 = tpu.memref_slice %arg6[%dma_start3A_576, %dma_start3A_577, %dma_start3A_578] : memref<6x16x1024xf32, #tpu.memory_space<vmem>> -> memref<1x16x1024xf32, #tpu.memory_space<vmem>>
    %dma_start3A_580 = tpu.memref_squeeze %dma_start3A_579 : memref<1x16x1024xf32, #tpu.memory_space<vmem>> -> memref<16x1024xf32, #tpu.memory_space<vmem>>
    %dma_start3A_581 = arith.constant 224 : i32
    %dma_start3A_582 = tpu.memref_slice %arg5[%dma_start3A_581] : memref<256xi32, #tpu.memory_space<vmem>> -> memref<16xi32, #tpu.memory_space<vmem>>
    %dma_start3A_583 = arith.constant 0 : i32
    %dma_start3A_584 = arith.constant 0 : i32
    %dma_start3A_585 = tpu.memref_slice %arg3[%dma_start3A_583, %dma_start3A_584] : memref<100000x1024xf32, #tpu.memory_space<hbm>> -> memref<100000x1024xf32, #tpu.memory_space<hbm>>
    tpu.enqueue_indirect_dma source(%dma_start3A_585 : memref<100000x1024xf32, #tpu.memory_space<hbm>>) target(%dma_start3A_580 : memref<16x1024xf32, #tpu.memory_space<vmem>>) offsets(%dma_start3A_582 : memref<16xi32, #tpu.memory_space<vmem>>) semaphore(%arg9 : memref<!tpu.dma_semaphore, #tpu.memory_space<semaphore_mem>>)
    %dma_wait3A_586 = arith.constant 4 : i32
    %dma_wait3A_587 = arith.constant 0 : i32
    %dma_wait3A_588 = arith.constant 0 : i32
    %dma_wait3A_589 = tpu.memref_slice %arg6[%dma_wait3A_586, %dma_wait3A_587, %dma_wait3A_588] : memref<6x16x1024xf32, #tpu.memory_space<vmem>> -> memref<1x16x1024xf32, #tpu.memory_space<vmem>>
    %dma_wait3A_590 = tpu.memref_squeeze %dma_wait3A_589 : memref<1x16x1024xf32, #tpu.memory_space<vmem>> -> memref<16x1024xf32, #tpu.memory_space<vmem>>
    %dma_wait3A_591 = arith.constant 160 : i32
    %dma_wait3A_592 = tpu.memref_slice %arg5[%dma_wait3A_591] : memref<256xi32, #tpu.memory_space<vmem>> -> memref<16xi32, #tpu.memory_space<vmem>>
    %dma_wait3A_593 = arith.constant 0 : i32
    %dma_wait3A_594 = arith.constant 0 : i32
    %dma_wait3A_595 = tpu.memref_slice %arg3[%dma_wait3A_593, %dma_wait3A_594] : memref<100000x1024xf32, #tpu.memory_space<hbm>> -> memref<100000x1024xf32, #tpu.memory_space<hbm>>
    tpu.wait_indirect_dma semaphore(%arg11 : memref<!tpu.dma_semaphore, #tpu.memory_space<semaphore_mem>>) src(%dma_wait3A_595 : memref<100000x1024xf32, #tpu.memory_space<hbm>>) dst(%dma_wait3A_590 : memref<16x1024xf32, #tpu.memory_space<vmem>>)
    %add3A_596 = arith.constant 160 : i32
    %add3A_597 = arith.addi %mul3A_32, %add3A_596 : i32
    %dma_start3A_598 = arith.constant 4 : i32
    %dma_start3A_599 = arith.constant 0 : i32
    %dma_start3A_600 = arith.constant 0 : i32
    %dma_start3A_601 = tpu.memref_slice %arg6[%dma_start3A_598, %dma_start3A_599, %dma_start3A_600] : memref<6x16x1024xf32, #tpu.memory_space<vmem>> -> memref<1x16x1024xf32, #tpu.memory_space<vmem>>
    %dma_start3A_602 = tpu.memref_squeeze %dma_start3A_601 : memref<1x16x1024xf32, #tpu.memory_space<vmem>> -> memref<16x1024xf32, #tpu.memory_space<vmem>>
    %dma_start3A_603 = arith.constant 0 : i32
    %dma_start3A_604 = tpu.memref_slice %arg4[%select_n3A, %add3A_597, %dma_start3A_603] : memref<2x4096x1024xf32, #tpu.memory_space<hbm>> -> memref<1x16x1024xf32, #tpu.memory_space<hbm>>
    %dma_start3A_605 = tpu.memref_squeeze %dma_start3A_604 : memref<1x16x1024xf32, #tpu.memory_space<hbm>> -> memref<16x1024xf32, #tpu.memory_space<hbm>>
    %dma_start3A_606 = arith.constant 0 : i32
    %dma_start3A_607 = tpu.memref_slice %arg4[%select_n3A, %add3A_597, %dma_start3A_606] : memref<2x4096x1024xf32, #tpu.memory_space<hbm>> -> memref<1x16x1024xf32, #tpu.memory_space<hbm>>
    %dma_start3A_608 = tpu.memref_squeeze %dma_start3A_607 : memref<1x16x1024xf32, #tpu.memory_space<hbm>> -> memref<16x1024xf32, #tpu.memory_space<hbm>>
    %dma_start3A_609 = arith.constant 0 : i32
    %dma_start3A_610 = arith.constant 0 : i32
    %dma_start3A_611 = tpu.memref_slice %arg6[%dma_start3A_598, %dma_start3A_609, %dma_start3A_610] : memref<6x16x1024xf32, #tpu.memory_space<vmem>> -> memref<1x16x1024xf32, #tpu.memory_space<vmem>>
    %dma_start3A_612 = tpu.memref_squeeze %dma_start3A_611 : memref<1x16x1024xf32, #tpu.memory_space<vmem>> -> memref<16x1024xf32, #tpu.memory_space<vmem>>
    tpu.enqueue_dma source(%dma_start3A_612 : memref<16x1024xf32, #tpu.memory_space<vmem>>) target(%dma_start3A_608 : memref<16x1024xf32, #tpu.memory_space<hbm>>) target_semaphore(%arg17 : memref<!tpu.dma_semaphore, #tpu.memory_space<semaphore_mem>>)
    %dma_wait3A_613 = arith.constant 3 : i32
    %dma_wait3A_614 = arith.constant 0 : i32
    %dma_wait3A_615 = arith.constant 0 : i32
    %dma_wait3A_616 = tpu.memref_slice %arg6[%dma_wait3A_613, %dma_wait3A_614, %dma_wait3A_615] : memref<6x16x1024xf32, #tpu.memory_space<vmem>> -> memref<1x16x1024xf32, #tpu.memory_space<vmem>>
    %dma_wait3A_617 = tpu.memref_squeeze %dma_wait3A_616 : memref<1x16x1024xf32, #tpu.memory_space<vmem>> -> memref<16x1024xf32, #tpu.memory_space<vmem>>
    %dma_wait3A_618 = arith.constant 0 : i32
    %dma_wait3A_619 = tpu.memref_slice %arg4[%select_n3A, %add3A_545, %dma_wait3A_618] : memref<2x4096x1024xf32, #tpu.memory_space<hbm>> -> memref<1x16x1024xf32, #tpu.memory_space<hbm>>
    %dma_wait3A_620 = tpu.memref_squeeze %dma_wait3A_619 : memref<1x16x1024xf32, #tpu.memory_space<hbm>> -> memref<16x1024xf32, #tpu.memory_space<hbm>>
    %dma_wait3A_621 = arith.constant 0 : i32
    %dma_wait3A_622 = tpu.memref_slice %arg4[%select_n3A, %add3A_545, %dma_wait3A_621] : memref<2x4096x1024xf32, #tpu.memory_space<hbm>> -> memref<1x16x1024xf32, #tpu.memory_space<hbm>>
    %dma_wait3A_623 = tpu.memref_squeeze %dma_wait3A_622 : memref<1x16x1024xf32, #tpu.memory_space<hbm>> -> memref<16x1024xf32, #tpu.memory_space<hbm>>
    %dma_wait3A_624 = arith.constant 0 : i32
    %dma_wait3A_625 = arith.constant 0 : i32
    %dma_wait3A_626 = tpu.memref_slice %arg6[%dma_wait3A_613, %dma_wait3A_624, %dma_wait3A_625] : memref<6x16x1024xf32, #tpu.memory_space<vmem>> -> memref<1x16x1024xf32, #tpu.memory_space<vmem>>
    %dma_wait3A_627 = tpu.memref_squeeze %dma_wait3A_626 : memref<1x16x1024xf32, #tpu.memory_space<vmem>> -> memref<16x1024xf32, #tpu.memory_space<vmem>>
    tpu.wait_dma2 semaphore(%arg16 : memref<!tpu.dma_semaphore, #tpu.memory_space<semaphore_mem>>) src(%dma_wait3A_627 : memref<16x1024xf32, #tpu.memory_space<vmem>>) dst(%dma_wait3A_623 : memref<16x1024xf32, #tpu.memory_space<hbm>>)
    %dma_start3A_628 = arith.constant 3 : i32
    %dma_start3A_629 = arith.constant 0 : i32
    %dma_start3A_630 = arith.constant 0 : i32
    %dma_start3A_631 = tpu.memref_slice %arg6[%dma_start3A_628, %dma_start3A_629, %dma_start3A_630] : memref<6x16x1024xf32, #tpu.memory_space<vmem>> -> memref<1x16x1024xf32, #tpu.memory_space<vmem>>
    %dma_start3A_632 = tpu.memref_squeeze %dma_start3A_631 : memref<1x16x1024xf32, #tpu.memory_space<vmem>> -> memref<16x1024xf32, #tpu.memory_space<vmem>>
    %dma_start3A_633 = arith.constant 240 : i32
    %dma_start3A_634 = tpu.memref_slice %arg5[%dma_start3A_633] : memref<256xi32, #tpu.memory_space<vmem>> -> memref<16xi32, #tpu.memory_space<vmem>>
    %dma_start3A_635 = arith.constant 0 : i32
    %dma_start3A_636 = arith.constant 0 : i32
    %dma_start3A_637 = tpu.memref_slice %arg3[%dma_start3A_635, %dma_start3A_636] : memref<100000x1024xf32, #tpu.memory_space<hbm>> -> memref<100000x1024xf32, #tpu.memory_space<hbm>>
    tpu.enqueue_indirect_dma source(%dma_start3A_637 : memref<100000x1024xf32, #tpu.memory_space<hbm>>) target(%dma_start3A_632 : memref<16x1024xf32, #tpu.memory_space<vmem>>) offsets(%dma_start3A_634 : memref<16xi32, #tpu.memory_space<vmem>>) semaphore(%arg10 : memref<!tpu.dma_semaphore, #tpu.memory_space<semaphore_mem>>)
    %dma_wait3A_638 = arith.constant 5 : i32
    %dma_wait3A_639 = arith.constant 0 : i32
    %dma_wait3A_640 = arith.constant 0 : i32
    %dma_wait3A_641 = tpu.memref_slice %arg6[%dma_wait3A_638, %dma_wait3A_639, %dma_wait3A_640] : memref<6x16x1024xf32, #tpu.memory_space<vmem>> -> memref<1x16x1024xf32, #tpu.memory_space<vmem>>
    %dma_wait3A_642 = tpu.memref_squeeze %dma_wait3A_641 : memref<1x16x1024xf32, #tpu.memory_space<vmem>> -> memref<16x1024xf32, #tpu.memory_space<vmem>>
    %dma_wait3A_643 = arith.constant 176 : i32
    %dma_wait3A_644 = tpu.memref_slice %arg5[%dma_wait3A_643] : memref<256xi32, #tpu.memory_space<vmem>> -> memref<16xi32, #tpu.memory_space<vmem>>
    %dma_wait3A_645 = arith.constant 0 : i32
    %dma_wait3A_646 = arith.constant 0 : i32
    %dma_wait3A_647 = tpu.memref_slice %arg3[%dma_wait3A_645, %dma_wait3A_646] : memref<100000x1024xf32, #tpu.memory_space<hbm>> -> memref<100000x1024xf32, #tpu.memory_space<hbm>>
    tpu.wait_indirect_dma semaphore(%arg12 : memref<!tpu.dma_semaphore, #tpu.memory_space<semaphore_mem>>) src(%dma_wait3A_647 : memref<100000x1024xf32, #tpu.memory_space<hbm>>) dst(%dma_wait3A_642 : memref<16x1024xf32, #tpu.memory_space<vmem>>)
    %add3A_648 = arith.constant 176 : i32
    %add3A_649 = arith.addi %mul3A_32, %add3A_648 : i32
    %dma_start3A_650 = arith.constant 5 : i32
    %dma_start3A_651 = arith.constant 0 : i32
    %dma_start3A_652 = arith.constant 0 : i32
    %dma_start3A_653 = tpu.memref_slice %arg6[%dma_start3A_650, %dma_start3A_651, %dma_start3A_652] : memref<6x16x1024xf32, #tpu.memory_space<vmem>> -> memref<1x16x1024xf32, #tpu.memory_space<vmem>>
    %dma_start3A_654 = tpu.memref_squeeze %dma_start3A_653 : memref<1x16x1024xf32, #tpu.memory_space<vmem>> -> memref<16x1024xf32, #tpu.memory_space<vmem>>
    %dma_start3A_655 = arith.constant 0 : i32
    %dma_start3A_656 = tpu.memref_slice %arg4[%select_n3A, %add3A_649, %dma_start3A_655] : memref<2x4096x1024xf32, #tpu.memory_space<hbm>> -> memref<1x16x1024xf32, #tpu.memory_space<hbm>>
    %dma_start3A_657 = tpu.memref_squeeze %dma_start3A_656 : memref<1x16x1024xf32, #tpu.memory_space<hbm>> -> memref<16x1024xf32, #tpu.memory_space<hbm>>
    %dma_start3A_658 = arith.constant 0 : i32
    %dma_start3A_659 = tpu.memref_slice %arg4[%select_n3A, %add3A_649, %dma_start3A_658] : memref<2x4096x1024xf32, #tpu.memory_space<hbm>> -> memref<1x16x1024xf32, #tpu.memory_space<hbm>>
    %dma_start3A_660 = tpu.memref_squeeze %dma_start3A_659 : memref<1x16x1024xf32, #tpu.memory_space<hbm>> -> memref<16x1024xf32, #tpu.memory_space<hbm>>
    %dma_start3A_661 = arith.constant 0 : i32
    %dma_start3A_662 = arith.constant 0 : i32
    %dma_start3A_663 = tpu.memref_slice %arg6[%dma_start3A_650, %dma_start3A_661, %dma_start3A_662] : memref<6x16x1024xf32, #tpu.memory_space<vmem>> -> memref<1x16x1024xf32, #tpu.memory_space<vmem>>
    %dma_start3A_664 = tpu.memref_squeeze %dma_start3A_663 : memref<1x16x1024xf32, #tpu.memory_space<vmem>> -> memref<16x1024xf32, #tpu.memory_space<vmem>>
    tpu.enqueue_dma source(%dma_start3A_664 : memref<16x1024xf32, #tpu.memory_space<vmem>>) target(%dma_start3A_660 : memref<16x1024xf32, #tpu.memory_space<hbm>>) target_semaphore(%arg18 : memref<!tpu.dma_semaphore, #tpu.memory_space<semaphore_mem>>)
    %dma_wait3A_665 = arith.constant 0 : i32
    %dma_wait3A_666 = arith.constant 0 : i32
    %dma_wait3A_667 = arith.constant 0 : i32
    %dma_wait3A_668 = tpu.memref_slice %arg6[%dma_wait3A_665, %dma_wait3A_666, %dma_wait3A_667] : memref<6x16x1024xf32, #tpu.memory_space<vmem>> -> memref<1x16x1024xf32, #tpu.memory_space<vmem>>
    %dma_wait3A_669 = tpu.memref_squeeze %dma_wait3A_668 : memref<1x16x1024xf32, #tpu.memory_space<vmem>> -> memref<16x1024xf32, #tpu.memory_space<vmem>>
    %dma_wait3A_670 = arith.constant 192 : i32
    %dma_wait3A_671 = tpu.memref_slice %arg5[%dma_wait3A_670] : memref<256xi32, #tpu.memory_space<vmem>> -> memref<16xi32, #tpu.memory_space<vmem>>
    %dma_wait3A_672 = arith.constant 0 : i32
    %dma_wait3A_673 = arith.constant 0 : i32
    %dma_wait3A_674 = tpu.memref_slice %arg3[%dma_wait3A_672, %dma_wait3A_673] : memref<100000x1024xf32, #tpu.memory_space<hbm>> -> memref<100000x1024xf32, #tpu.memory_space<hbm>>
    tpu.wait_indirect_dma semaphore(%arg7 : memref<!tpu.dma_semaphore, #tpu.memory_space<semaphore_mem>>) src(%dma_wait3A_674 : memref<100000x1024xf32, #tpu.memory_space<hbm>>) dst(%dma_wait3A_669 : memref<16x1024xf32, #tpu.memory_space<vmem>>)
    %add3A_675 = arith.constant 192 : i32
    %add3A_676 = arith.addi %mul3A_32, %add3A_675 : i32
    %dma_start3A_677 = arith.constant 0 : i32
    %dma_start3A_678 = arith.constant 0 : i32
    %dma_start3A_679 = arith.constant 0 : i32
    %dma_start3A_680 = tpu.memref_slice %arg6[%dma_start3A_677, %dma_start3A_678, %dma_start3A_679] : memref<6x16x1024xf32, #tpu.memory_space<vmem>> -> memref<1x16x1024xf32, #tpu.memory_space<vmem>>
    %dma_start3A_681 = tpu.memref_squeeze %dma_start3A_680 : memref<1x16x1024xf32, #tpu.memory_space<vmem>> -> memref<16x1024xf32, #tpu.memory_space<vmem>>
    %dma_start3A_682 = arith.constant 0 : i32
    %dma_start3A_683 = tpu.memref_slice %arg4[%select_n3A, %add3A_676, %dma_start3A_682] : memref<2x4096x1024xf32, #tpu.memory_space<hbm>> -> memref<1x16x1024xf32, #tpu.memory_space<hbm>>
    %dma_start3A_684 = tpu.memref_squeeze %dma_start3A_683 : memref<1x16x1024xf32, #tpu.memory_space<hbm>> -> memref<16x1024xf32, #tpu.memory_space<hbm>>
    %dma_start3A_685 = arith.constant 0 : i32
    %dma_start3A_686 = tpu.memref_slice %arg4[%select_n3A, %add3A_676, %dma_start3A_685] : memref<2x4096x1024xf32, #tpu.memory_space<hbm>> -> memref<1x16x1024xf32, #tpu.memory_space<hbm>>
    %dma_start3A_687 = tpu.memref_squeeze %dma_start3A_686 : memref<1x16x1024xf32, #tpu.memory_space<hbm>> -> memref<16x1024xf32, #tpu.memory_space<hbm>>
    %dma_start3A_688 = arith.constant 0 : i32
    %dma_start3A_689 = arith.constant 0 : i32
    %dma_start3A_690 = tpu.memref_slice %arg6[%dma_start3A_677, %dma_start3A_688, %dma_start3A_689] : memref<6x16x1024xf32, #tpu.memory_space<vmem>> -> memref<1x16x1024xf32, #tpu.memory_space<vmem>>
    %dma_start3A_691 = tpu.memref_squeeze %dma_start3A_690 : memref<1x16x1024xf32, #tpu.memory_space<vmem>> -> memref<16x1024xf32, #tpu.memory_space<vmem>>
    tpu.enqueue_dma source(%dma_start3A_691 : memref<16x1024xf32, #tpu.memory_space<vmem>>) target(%dma_start3A_687 : memref<16x1024xf32, #tpu.memory_space<hbm>>) target_semaphore(%arg13 : memref<!tpu.dma_semaphore, #tpu.memory_space<semaphore_mem>>)
    %dma_wait3A_692 = arith.constant 1 : i32
    %dma_wait3A_693 = arith.constant 0 : i32
    %dma_wait3A_694 = arith.constant 0 : i32
    %dma_wait3A_695 = tpu.memref_slice %arg6[%dma_wait3A_692, %dma_wait3A_693, %dma_wait3A_694] : memref<6x16x1024xf32, #tpu.memory_space<vmem>> -> memref<1x16x1024xf32, #tpu.memory_space<vmem>>
    %dma_wait3A_696 = tpu.memref_squeeze %dma_wait3A_695 : memref<1x16x1024xf32, #tpu.memory_space<vmem>> -> memref<16x1024xf32, #tpu.memory_space<vmem>>
    %dma_wait3A_697 = arith.constant 208 : i32
    %dma_wait3A_698 = tpu.memref_slice %arg5[%dma_wait3A_697] : memref<256xi32, #tpu.memory_space<vmem>> -> memref<16xi32, #tpu.memory_space<vmem>>
    %dma_wait3A_699 = arith.constant 0 : i32
    %dma_wait3A_700 = arith.constant 0 : i32
    %dma_wait3A_701 = tpu.memref_slice %arg3[%dma_wait3A_699, %dma_wait3A_700] : memref<100000x1024xf32, #tpu.memory_space<hbm>> -> memref<100000x1024xf32, #tpu.memory_space<hbm>>
    tpu.wait_indirect_dma semaphore(%arg8 : memref<!tpu.dma_semaphore, #tpu.memory_space<semaphore_mem>>) src(%dma_wait3A_701 : memref<100000x1024xf32, #tpu.memory_space<hbm>>) dst(%dma_wait3A_696 : memref<16x1024xf32, #tpu.memory_space<vmem>>)
    %add3A_702 = arith.constant 208 : i32
    %add3A_703 = arith.addi %mul3A_32, %add3A_702 : i32
    %dma_start3A_704 = arith.constant 1 : i32
    %dma_start3A_705 = arith.constant 0 : i32
    %dma_start3A_706 = arith.constant 0 : i32
    %dma_start3A_707 = tpu.memref_slice %arg6[%dma_start3A_704, %dma_start3A_705, %dma_start3A_706] : memref<6x16x1024xf32, #tpu.memory_space<vmem>> -> memref<1x16x1024xf32, #tpu.memory_space<vmem>>
    %dma_start3A_708 = tpu.memref_squeeze %dma_start3A_707 : memref<1x16x1024xf32, #tpu.memory_space<vmem>> -> memref<16x1024xf32, #tpu.memory_space<vmem>>
    %dma_start3A_709 = arith.constant 0 : i32
    %dma_start3A_710 = tpu.memref_slice %arg4[%select_n3A, %add3A_703, %dma_start3A_709] : memref<2x4096x1024xf32, #tpu.memory_space<hbm>> -> memref<1x16x1024xf32, #tpu.memory_space<hbm>>
    %dma_start3A_711 = tpu.memref_squeeze %dma_start3A_710 : memref<1x16x1024xf32, #tpu.memory_space<hbm>> -> memref<16x1024xf32, #tpu.memory_space<hbm>>
    %dma_start3A_712 = arith.constant 0 : i32
    %dma_start3A_713 = tpu.memref_slice %arg4[%select_n3A, %add3A_703, %dma_start3A_712] : memref<2x4096x1024xf32, #tpu.memory_space<hbm>> -> memref<1x16x1024xf32, #tpu.memory_space<hbm>>
    %dma_start3A_714 = tpu.memref_squeeze %dma_start3A_713 : memref<1x16x1024xf32, #tpu.memory_space<hbm>> -> memref<16x1024xf32, #tpu.memory_space<hbm>>
    %dma_start3A_715 = arith.constant 0 : i32
    %dma_start3A_716 = arith.constant 0 : i32
    %dma_start3A_717 = tpu.memref_slice %arg6[%dma_start3A_704, %dma_start3A_715, %dma_start3A_716] : memref<6x16x1024xf32, #tpu.memory_space<vmem>> -> memref<1x16x1024xf32, #tpu.memory_space<vmem>>
    %dma_start3A_718 = tpu.memref_squeeze %dma_start3A_717 : memref<1x16x1024xf32, #tpu.memory_space<vmem>> -> memref<16x1024xf32, #tpu.memory_space<vmem>>
    tpu.enqueue_dma source(%dma_start3A_718 : memref<16x1024xf32, #tpu.memory_space<vmem>>) target(%dma_start3A_714 : memref<16x1024xf32, #tpu.memory_space<hbm>>) target_semaphore(%arg14 : memref<!tpu.dma_semaphore, #tpu.memory_space<semaphore_mem>>)
    %dma_wait3A_719 = arith.constant 2 : i32
    %dma_wait3A_720 = arith.constant 0 : i32
    %dma_wait3A_721 = arith.constant 0 : i32
    %dma_wait3A_722 = tpu.memref_slice %arg6[%dma_wait3A_719, %dma_wait3A_720, %dma_wait3A_721] : memref<6x16x1024xf32, #tpu.memory_space<vmem>> -> memref<1x16x1024xf32, #tpu.memory_space<vmem>>
    %dma_wait3A_723 = tpu.memref_squeeze %dma_wait3A_722 : memref<1x16x1024xf32, #tpu.memory_space<vmem>> -> memref<16x1024xf32, #tpu.memory_space<vmem>>
    %dma_wait3A_724 = arith.constant 224 : i32
    %dma_wait3A_725 = tpu.memref_slice %arg5[%dma_wait3A_724] : memref<256xi32, #tpu.memory_space<vmem>> -> memref<16xi32, #tpu.memory_space<vmem>>
    %dma_wait3A_726 = arith.constant 0 : i32
    %dma_wait3A_727 = arith.constant 0 : i32
    %dma_wait3A_728 = tpu.memref_slice %arg3[%dma_wait3A_726, %dma_wait3A_727] : memref<100000x1024xf32, #tpu.memory_space<hbm>> -> memref<100000x1024xf32, #tpu.memory_space<hbm>>
    tpu.wait_indirect_dma semaphore(%arg9 : memref<!tpu.dma_semaphore, #tpu.memory_space<semaphore_mem>>) src(%dma_wait3A_728 : memref<100000x1024xf32, #tpu.memory_space<hbm>>) dst(%dma_wait3A_723 : memref<16x1024xf32, #tpu.memory_space<vmem>>)
    %add3A_729 = arith.constant 224 : i32
    %add3A_730 = arith.addi %mul3A_32, %add3A_729 : i32
    %dma_start3A_731 = arith.constant 2 : i32
    %dma_start3A_732 = arith.constant 0 : i32
    %dma_start3A_733 = arith.constant 0 : i32
    %dma_start3A_734 = tpu.memref_slice %arg6[%dma_start3A_731, %dma_start3A_732, %dma_start3A_733] : memref<6x16x1024xf32, #tpu.memory_space<vmem>> -> memref<1x16x1024xf32, #tpu.memory_space<vmem>>
    %dma_start3A_735 = tpu.memref_squeeze %dma_start3A_734 : memref<1x16x1024xf32, #tpu.memory_space<vmem>> -> memref<16x1024xf32, #tpu.memory_space<vmem>>
    %dma_start3A_736 = arith.constant 0 : i32
    %dma_start3A_737 = tpu.memref_slice %arg4[%select_n3A, %add3A_730, %dma_start3A_736] : memref<2x4096x1024xf32, #tpu.memory_space<hbm>> -> memref<1x16x1024xf32, #tpu.memory_space<hbm>>
    %dma_start3A_738 = tpu.memref_squeeze %dma_start3A_737 : memref<1x16x1024xf32, #tpu.memory_space<hbm>> -> memref<16x1024xf32, #tpu.memory_space<hbm>>
    %dma_start3A_739 = arith.constant 0 : i32
    %dma_start3A_740 = tpu.memref_slice %arg4[%select_n3A, %add3A_730, %dma_start3A_739] : memref<2x4096x1024xf32, #tpu.memory_space<hbm>> -> memref<1x16x1024xf32, #tpu.memory_space<hbm>>
    %dma_start3A_741 = tpu.memref_squeeze %dma_start3A_740 : memref<1x16x1024xf32, #tpu.memory_space<hbm>> -> memref<16x1024xf32, #tpu.memory_space<hbm>>
    %dma_start3A_742 = arith.constant 0 : i32
    %dma_start3A_743 = arith.constant 0 : i32
    %dma_start3A_744 = tpu.memref_slice %arg6[%dma_start3A_731, %dma_start3A_742, %dma_start3A_743] : memref<6x16x1024xf32, #tpu.memory_space<vmem>> -> memref<1x16x1024xf32, #tpu.memory_space<vmem>>
    %dma_start3A_745 = tpu.memref_squeeze %dma_start3A_744 : memref<1x16x1024xf32, #tpu.memory_space<vmem>> -> memref<16x1024xf32, #tpu.memory_space<vmem>>
    tpu.enqueue_dma source(%dma_start3A_745 : memref<16x1024xf32, #tpu.memory_space<vmem>>) target(%dma_start3A_741 : memref<16x1024xf32, #tpu.memory_space<hbm>>) target_semaphore(%arg15 : memref<!tpu.dma_semaphore, #tpu.memory_space<semaphore_mem>>)
    %dma_wait3A_746 = arith.constant 3 : i32
    %dma_wait3A_747 = arith.constant 0 : i32
    %dma_wait3A_748 = arith.constant 0 : i32
    %dma_wait3A_749 = tpu.memref_slice %arg6[%dma_wait3A_746, %dma_wait3A_747, %dma_wait3A_748] : memref<6x16x1024xf32, #tpu.memory_space<vmem>> -> memref<1x16x1024xf32, #tpu.memory_space<vmem>>
    %dma_wait3A_750 = tpu.memref_squeeze %dma_wait3A_749 : memref<1x16x1024xf32, #tpu.memory_space<vmem>> -> memref<16x1024xf32, #tpu.memory_space<vmem>>
    %dma_wait3A_751 = arith.constant 240 : i32
    %dma_wait3A_752 = tpu.memref_slice %arg5[%dma_wait3A_751] : memref<256xi32, #tpu.memory_space<vmem>> -> memref<16xi32, #tpu.memory_space<vmem>>
    %dma_wait3A_753 = arith.constant 0 : i32
    %dma_wait3A_754 = arith.constant 0 : i32
    %dma_wait3A_755 = tpu.memref_slice %arg3[%dma_wait3A_753, %dma_wait3A_754] : memref<100000x1024xf32, #tpu.memory_space<hbm>> -> memref<100000x1024xf32, #tpu.memory_space<hbm>>
    tpu.wait_indirect_dma semaphore(%arg10 : memref<!tpu.dma_semaphore, #tpu.memory_space<semaphore_mem>>) src(%dma_wait3A_755 : memref<100000x1024xf32, #tpu.memory_space<hbm>>) dst(%dma_wait3A_750 : memref<16x1024xf32, #tpu.memory_space<vmem>>)
    %add3A_756 = arith.constant 240 : i32
    %add3A_757 = arith.addi %mul3A_32, %add3A_756 : i32
    %dma_start3A_758 = arith.constant 3 : i32
    %dma_start3A_759 = arith.constant 0 : i32
    %dma_start3A_760 = arith.constant 0 : i32
    %dma_start3A_761 = tpu.memref_slice %arg6[%dma_start3A_758, %dma_start3A_759, %dma_start3A_760] : memref<6x16x1024xf32, #tpu.memory_space<vmem>> -> memref<1x16x1024xf32, #tpu.memory_space<vmem>>
    %dma_start3A_762 = tpu.memref_squeeze %dma_start3A_761 : memref<1x16x1024xf32, #tpu.memory_space<vmem>> -> memref<16x1024xf32, #tpu.memory_space<vmem>>
    %dma_start3A_763 = arith.constant 0 : i32
    %dma_start3A_764 = tpu.memref_slice %arg4[%select_n3A, %add3A_757, %dma_start3A_763] : memref<2x4096x1024xf32, #tpu.memory_space<hbm>> -> memref<1x16x1024xf32, #tpu.memory_space<hbm>>
    %dma_start3A_765 = tpu.memref_squeeze %dma_start3A_764 : memref<1x16x1024xf32, #tpu.memory_space<hbm>> -> memref<16x1024xf32, #tpu.memory_space<hbm>>
    %dma_start3A_766 = arith.constant 0 : i32
    %dma_start3A_767 = tpu.memref_slice %arg4[%select_n3A, %add3A_757, %dma_start3A_766] : memref<2x4096x1024xf32, #tpu.memory_space<hbm>> -> memref<1x16x1024xf32, #tpu.memory_space<hbm>>
    %dma_start3A_768 = tpu.memref_squeeze %dma_start3A_767 : memref<1x16x1024xf32, #tpu.memory_space<hbm>> -> memref<16x1024xf32, #tpu.memory_space<hbm>>
    %dma_start3A_769 = arith.constant 0 : i32
    %dma_start3A_770 = arith.constant 0 : i32
    %dma_start3A_771 = tpu.memref_slice %arg6[%dma_start3A_758, %dma_start3A_769, %dma_start3A_770] : memref<6x16x1024xf32, #tpu.memory_space<vmem>> -> memref<1x16x1024xf32, #tpu.memory_space<vmem>>
    %dma_start3A_772 = tpu.memref_squeeze %dma_start3A_771 : memref<1x16x1024xf32, #tpu.memory_space<vmem>> -> memref<16x1024xf32, #tpu.memory_space<vmem>>
    tpu.enqueue_dma source(%dma_start3A_772 : memref<16x1024xf32, #tpu.memory_space<vmem>>) target(%dma_start3A_768 : memref<16x1024xf32, #tpu.memory_space<hbm>>) target_semaphore(%arg16 : memref<!tpu.dma_semaphore, #tpu.memory_space<semaphore_mem>>)
    %dma_wait3A_773 = arith.constant 4 : i32
    %dma_wait3A_774 = arith.constant 0 : i32
    %dma_wait3A_775 = arith.constant 0 : i32
    %dma_wait3A_776 = tpu.memref_slice %arg6[%dma_wait3A_773, %dma_wait3A_774, %dma_wait3A_775] : memref<6x16x1024xf32, #tpu.memory_space<vmem>> -> memref<1x16x1024xf32, #tpu.memory_space<vmem>>
    %dma_wait3A_777 = tpu.memref_squeeze %dma_wait3A_776 : memref<1x16x1024xf32, #tpu.memory_space<vmem>> -> memref<16x1024xf32, #tpu.memory_space<vmem>>
    %dma_wait3A_778 = arith.constant 0 : i32
    %dma_wait3A_779 = tpu.memref_slice %arg4[%select_n3A, %add3A_597, %dma_wait3A_778] : memref<2x4096x1024xf32, #tpu.memory_space<hbm>> -> memref<1x16x1024xf32, #tpu.memory_space<hbm>>
    %dma_wait3A_780 = tpu.memref_squeeze %dma_wait3A_779 : memref<1x16x1024xf32, #tpu.memory_space<hbm>> -> memref<16x1024xf32, #tpu.memory_space<hbm>>
    %dma_wait3A_781 = arith.constant 0 : i32
    %dma_wait3A_782 = tpu.memref_slice %arg4[%select_n3A, %add3A_597, %dma_wait3A_781] : memref<2x4096x1024xf32, #tpu.memory_space<hbm>> -> memref<1x16x1024xf32, #tpu.memory_space<hbm>>
    %dma_wait3A_783 = tpu.memref_squeeze %dma_wait3A_782 : memref<1x16x1024xf32, #tpu.memory_space<hbm>> -> memref<16x1024xf32, #tpu.memory_space<hbm>>
    %dma_wait3A_784 = arith.constant 0 : i32
    %dma_wait3A_785 = arith.constant 0 : i32
    %dma_wait3A_786 = tpu.memref_slice %arg6[%dma_wait3A_773, %dma_wait3A_784, %dma_wait3A_785] : memref<6x16x1024xf32, #tpu.memory_space<vmem>> -> memref<1x16x1024xf32, #tpu.memory_space<vmem>>
    %dma_wait3A_787 = tpu.memref_squeeze %dma_wait3A_786 : memref<1x16x1024xf32, #tpu.memory_space<vmem>> -> memref<16x1024xf32, #tpu.memory_space<vmem>>
    tpu.wait_dma2 semaphore(%arg17 : memref<!tpu.dma_semaphore, #tpu.memory_space<semaphore_mem>>) src(%dma_wait3A_787 : memref<16x1024xf32, #tpu.memory_space<vmem>>) dst(%dma_wait3A_783 : memref<16x1024xf32, #tpu.memory_space<hbm>>)
    %dma_wait3A_788 = arith.constant 5 : i32
    %dma_wait3A_789 = arith.constant 0 : i32
    %dma_wait3A_790 = arith.constant 0 : i32
    %dma_wait3A_791 = tpu.memref_slice %arg6[%dma_wait3A_788, %dma_wait3A_789, %dma_wait3A_790] : memref<6x16x1024xf32, #tpu.memory_space<vmem>> -> memref<1x16x1024xf32, #tpu.memory_space<vmem>>
    %dma_wait3A_792 = tpu.memref_squeeze %dma_wait3A_791 : memref<1x16x1024xf32, #tpu.memory_space<vmem>> -> memref<16x1024xf32, #tpu.memory_space<vmem>>
    %dma_wait3A_793 = arith.constant 0 : i32
    %dma_wait3A_794 = tpu.memref_slice %arg4[%select_n3A, %add3A_649, %dma_wait3A_793] : memref<2x4096x1024xf32, #tpu.memory_space<hbm>> -> memref<1x16x1024xf32, #tpu.memory_space<hbm>>
    %dma_wait3A_795 = tpu.memref_squeeze %dma_wait3A_794 : memref<1x16x1024xf32, #tpu.memory_space<hbm>> -> memref<16x1024xf32, #tpu.memory_space<hbm>>
    %dma_wait3A_796 = arith.constant 0 : i32
    %dma_wait3A_797 = tpu.memref_slice %arg4[%select_n3A, %add3A_649, %dma_wait3A_796] : memref<2x4096x1024xf32, #tpu.memory_space<hbm>> -> memref<1x16x1024xf32, #tpu.memory_space<hbm>>
    %dma_wait3A_798 = tpu.memref_squeeze %dma_wait3A_797 : memref<1x16x1024xf32, #tpu.memory_space<hbm>> -> memref<16x1024xf32, #tpu.memory_space<hbm>>
    %dma_wait3A_799 = arith.constant 0 : i32
    %dma_wait3A_800 = arith.constant 0 : i32
    %dma_wait3A_801 = tpu.memref_slice %arg6[%dma_wait3A_788, %dma_wait3A_799, %dma_wait3A_800] : memref<6x16x1024xf32, #tpu.memory_space<vmem>> -> memref<1x16x1024xf32, #tpu.memory_space<vmem>>
    %dma_wait3A_802 = tpu.memref_squeeze %dma_wait3A_801 : memref<1x16x1024xf32, #tpu.memory_space<vmem>> -> memref<16x1024xf32, #tpu.memory_space<vmem>>
    tpu.wait_dma2 semaphore(%arg18 : memref<!tpu.dma_semaphore, #tpu.memory_space<semaphore_mem>>) src(%dma_wait3A_802 : memref<16x1024xf32, #tpu.memory_space<vmem>>) dst(%dma_wait3A_798 : memref<16x1024xf32, #tpu.memory_space<hbm>>)
    %dma_wait3A_803 = arith.constant 0 : i32
    %dma_wait3A_804 = arith.constant 0 : i32
    %dma_wait3A_805 = arith.constant 0 : i32
    %dma_wait3A_806 = tpu.memref_slice %arg6[%dma_wait3A_803, %dma_wait3A_804, %dma_wait3A_805] : memref<6x16x1024xf32, #tpu.memory_space<vmem>> -> memref<1x16x1024xf32, #tpu.memory_space<vmem>>
    %dma_wait3A_807 = tpu.memref_squeeze %dma_wait3A_806 : memref<1x16x1024xf32, #tpu.memory_space<vmem>> -> memref<16x1024xf32, #tpu.memory_space<vmem>>
    %dma_wait3A_808 = arith.constant 0 : i32
    %dma_wait3A_809 = tpu.memref_slice %arg4[%select_n3A, %add3A_676, %dma_wait3A_808] : memref<2x4096x1024xf32, #tpu.memory_space<hbm>> -> memref<1x16x1024xf32, #tpu.memory_space<hbm>>
    %dma_wait3A_810 = tpu.memref_squeeze %dma_wait3A_809 : memref<1x16x1024xf32, #tpu.memory_space<hbm>> -> memref<16x1024xf32, #tpu.memory_space<hbm>>
    %dma_wait3A_811 = arith.constant 0 : i32
    %dma_wait3A_812 = tpu.memref_slice %arg4[%select_n3A, %add3A_676, %dma_wait3A_811] : memref<2x4096x1024xf32, #tpu.memory_space<hbm>> -> memref<1x16x1024xf32, #tpu.memory_space<hbm>>
    %dma_wait3A_813 = tpu.memref_squeeze %dma_wait3A_812 : memref<1x16x1024xf32, #tpu.memory_space<hbm>> -> memref<16x1024xf32, #tpu.memory_space<hbm>>
    %dma_wait3A_814 = arith.constant 0 : i32
    %dma_wait3A_815 = arith.constant 0 : i32
    %dma_wait3A_816 = tpu.memref_slice %arg6[%dma_wait3A_803, %dma_wait3A_814, %dma_wait3A_815] : memref<6x16x1024xf32, #tpu.memory_space<vmem>> -> memref<1x16x1024xf32, #tpu.memory_space<vmem>>
    %dma_wait3A_817 = tpu.memref_squeeze %dma_wait3A_816 : memref<1x16x1024xf32, #tpu.memory_space<vmem>> -> memref<16x1024xf32, #tpu.memory_space<vmem>>
    tpu.wait_dma2 semaphore(%arg13 : memref<!tpu.dma_semaphore, #tpu.memory_space<semaphore_mem>>) src(%dma_wait3A_817 : memref<16x1024xf32, #tpu.memory_space<vmem>>) dst(%dma_wait3A_813 : memref<16x1024xf32, #tpu.memory_space<hbm>>)
    %dma_wait3A_818 = arith.constant 1 : i32
    %dma_wait3A_819 = arith.constant 0 : i32
    %dma_wait3A_820 = arith.constant 0 : i32
    %dma_wait3A_821 = tpu.memref_slice %arg6[%dma_wait3A_818, %dma_wait3A_819, %dma_wait3A_820] : memref<6x16x1024xf32, #tpu.memory_space<vmem>> -> memref<1x16x1024xf32, #tpu.memory_space<vmem>>
    %dma_wait3A_822 = tpu.memref_squeeze %dma_wait3A_821 : memref<1x16x1024xf32, #tpu.memory_space<vmem>> -> memref<16x1024xf32, #tpu.memory_space<vmem>>
    %dma_wait3A_823 = arith.constant 0 : i32
    %dma_wait3A_824 = tpu.memref_slice %arg4[%select_n3A, %add3A_703, %dma_wait3A_823] : memref<2x4096x1024xf32, #tpu.memory_space<hbm>> -> memref<1x16x1024xf32, #tpu.memory_space<hbm>>
    %dma_wait3A_825 = tpu.memref_squeeze %dma_wait3A_824 : memref<1x16x1024xf32, #tpu.memory_space<hbm>> -> memref<16x1024xf32, #tpu.memory_space<hbm>>
    %dma_wait3A_826 = arith.constant 0 : i32
    %dma_wait3A_827 = tpu.memref_slice %arg4[%select_n3A, %add3A_703, %dma_wait3A_826] : memref<2x4096x1024xf32, #tpu.memory_space<hbm>> -> memref<1x16x1024xf32, #tpu.memory_space<hbm>>
    %dma_wait3A_828 = tpu.memref_squeeze %dma_wait3A_827 : memref<1x16x1024xf32, #tpu.memory_space<hbm>> -> memref<16x1024xf32, #tpu.memory_space<hbm>>
    %dma_wait3A_829 = arith.constant 0 : i32
    %dma_wait3A_830 = arith.constant 0 : i32
    %dma_wait3A_831 = tpu.memref_slice %arg6[%dma_wait3A_818, %dma_wait3A_829, %dma_wait3A_830] : memref<6x16x1024xf32, #tpu.memory_space<vmem>> -> memref<1x16x1024xf32, #tpu.memory_space<vmem>>
    %dma_wait3A_832 = tpu.memref_squeeze %dma_wait3A_831 : memref<1x16x1024xf32, #tpu.memory_space<vmem>> -> memref<16x1024xf32, #tpu.memory_space<vmem>>
    tpu.wait_dma2 semaphore(%arg14 : memref<!tpu.dma_semaphore, #tpu.memory_space<semaphore_mem>>) src(%dma_wait3A_832 : memref<16x1024xf32, #tpu.memory_space<vmem>>) dst(%dma_wait3A_828 : memref<16x1024xf32, #tpu.memory_space<hbm>>)
    %dma_wait3A_833 = arith.constant 2 : i32
    %dma_wait3A_834 = arith.constant 0 : i32
    %dma_wait3A_835 = arith.constant 0 : i32
    %dma_wait3A_836 = tpu.memref_slice %arg6[%dma_wait3A_833, %dma_wait3A_834, %dma_wait3A_835] : memref<6x16x1024xf32, #tpu.memory_space<vmem>> -> memref<1x16x1024xf32, #tpu.memory_space<vmem>>
    %dma_wait3A_837 = tpu.memref_squeeze %dma_wait3A_836 : memref<1x16x1024xf32, #tpu.memory_space<vmem>> -> memref<16x1024xf32, #tpu.memory_space<vmem>>
    %dma_wait3A_838 = arith.constant 0 : i32
    %dma_wait3A_839 = tpu.memref_slice %arg4[%select_n3A, %add3A_730, %dma_wait3A_838] : memref<2x4096x1024xf32, #tpu.memory_space<hbm>> -> memref<1x16x1024xf32, #tpu.memory_space<hbm>>
    %dma_wait3A_840 = tpu.memref_squeeze %dma_wait3A_839 : memref<1x16x1024xf32, #tpu.memory_space<hbm>> -> memref<16x1024xf32, #tpu.memory_space<hbm>>
    %dma_wait3A_841 = arith.constant 0 : i32
    %dma_wait3A_842 = tpu.memref_slice %arg4[%select_n3A, %add3A_730, %dma_wait3A_841] : memref<2x4096x1024xf32, #tpu.memory_space<hbm>> -> memref<1x16x1024xf32, #tpu.memory_space<hbm>>
    %dma_wait3A_843 = tpu.memref_squeeze %dma_wait3A_842 : memref<1x16x1024xf32, #tpu.memory_space<hbm>> -> memref<16x1024xf32, #tpu.memory_space<hbm>>
    %dma_wait3A_844 = arith.constant 0 : i32
    %dma_wait3A_845 = arith.constant 0 : i32
    %dma_wait3A_846 = tpu.memref_slice %arg6[%dma_wait3A_833, %dma_wait3A_844, %dma_wait3A_845] : memref<6x16x1024xf32, #tpu.memory_space<vmem>> -> memref<1x16x1024xf32, #tpu.memory_space<vmem>>
    %dma_wait3A_847 = tpu.memref_squeeze %dma_wait3A_846 : memref<1x16x1024xf32, #tpu.memory_space<vmem>> -> memref<16x1024xf32, #tpu.memory_space<vmem>>
    tpu.wait_dma2 semaphore(%arg15 : memref<!tpu.dma_semaphore, #tpu.memory_space<semaphore_mem>>) src(%dma_wait3A_847 : memref<16x1024xf32, #tpu.memory_space<vmem>>) dst(%dma_wait3A_843 : memref<16x1024xf32, #tpu.memory_space<hbm>>)
    %dma_wait3A_848 = arith.constant 3 : i32
    %dma_wait3A_849 = arith.constant 0 : i32
    %dma_wait3A_850 = arith.constant 0 : i32
    %dma_wait3A_851 = tpu.memref_slice %arg6[%dma_wait3A_848, %dma_wait3A_849, %dma_wait3A_850] : memref<6x16x1024xf32, #tpu.memory_space<vmem>> -> memref<1x16x1024xf32, #tpu.memory_space<vmem>>
    %dma_wait3A_852 = tpu.memref_squeeze %dma_wait3A_851 : memref<1x16x1024xf32, #tpu.memory_space<vmem>> -> memref<16x1024xf32, #tpu.memory_space<vmem>>
    %dma_wait3A_853 = arith.constant 0 : i32
    %dma_wait3A_854 = tpu.memref_slice %arg4[%select_n3A, %add3A_757, %dma_wait3A_853] : memref<2x4096x1024xf32, #tpu.memory_space<hbm>> -> memref<1x16x1024xf32, #tpu.memory_space<hbm>>
    %dma_wait3A_855 = tpu.memref_squeeze %dma_wait3A_854 : memref<1x16x1024xf32, #tpu.memory_space<hbm>> -> memref<16x1024xf32, #tpu.memory_space<hbm>>
    %dma_wait3A_856 = arith.constant 0 : i32
    %dma_wait3A_857 = tpu.memref_slice %arg4[%select_n3A, %add3A_757, %dma_wait3A_856] : memref<2x4096x1024xf32, #tpu.memory_space<hbm>> -> memref<1x16x1024xf32, #tpu.memory_space<hbm>>
    %dma_wait3A_858 = tpu.memref_squeeze %dma_wait3A_857 : memref<1x16x1024xf32, #tpu.memory_space<hbm>> -> memref<16x1024xf32, #tpu.memory_space<hbm>>
    %dma_wait3A_859 = arith.constant 0 : i32
    %dma_wait3A_860 = arith.constant 0 : i32
    %dma_wait3A_861 = tpu.memref_slice %arg6[%dma_wait3A_848, %dma_wait3A_859, %dma_wait3A_860] : memref<6x16x1024xf32, #tpu.memory_space<vmem>> -> memref<1x16x1024xf32, #tpu.memory_space<vmem>>
    %dma_wait3A_862 = tpu.memref_squeeze %dma_wait3A_861 : memref<1x16x1024xf32, #tpu.memory_space<vmem>> -> memref<16x1024xf32, #tpu.memory_space<vmem>>
    tpu.wait_dma2 semaphore(%arg16 : memref<!tpu.dma_semaphore, #tpu.memory_space<semaphore_mem>>) src(%dma_wait3A_862 : memref<16x1024xf32, #tpu.memory_space<vmem>>) dst(%dma_wait3A_858 : memref<16x1024xf32, #tpu.memory_space<hbm>>)
    return
  }
}

</mosaic_0001>

<sc_bundles>
// kernel: _sc_embed.3.cloned.1.call-start
scs
__scs_entry_jumppad:
0x0: {  	(pc) =	sbr.rel $0x88, $3  }
0x1: {  	(tag) =	ssettag $0x0;
	lr =	simm.s32 $0x1  }
0x2: {  	[smem:$0x3F9F] =	sst lr;
	_ =	strace $0xD0000000  }
0x3: {  	_ = 	snop  }
0x4: {  	_ = 	snop  }
0x5: {  	_ = 	snop  }
0x6: {  	_ = 	snop  }
0x7: {  	_ = 	snop  }
__scs_overlays_trampoline_lowered:
0x8: {  	[smem:$0x3FAE] =	sst s0  }
0x9: {  	[smem:$0x3FAF] =	sst s1  }
0xa: {  	[smem:$0x3FB0] =	sst s2  }
0xb: {  	[smem:$0x3FB1] =	sst s3  }
0xc: {  	[smem:$0x3FB2] =	sst s4  }
0xd: {  	[smem:$0x3FB3] =	sst s5  }
0xe: {  	[smem:$0x3FB4] =	sst s6  }
0xf: {  	[smem:$0x3FB5] =	sst s7  }
0x10: {  	[smem:$0x3FB6] =	sst s8  }
0x11: {  	[smem:$0x3FB7] =	sst s9;
	s0 =	simm.s32 @!p0 $0x0  }
0x12: {  	s1 =	sld [smem:$0x3F9D];
	s0 =	simm.s32 @p0 $0x1  }
0x13: {  	[smem:$0x3FB8] =	sst s0;
	s0 =	simm.s32 @!p1 $0x0  }
0x14: {  	s2 =	sld [smem:$0x3F9C];
	s0 =	simm.s32 @p1 $0x1  }
0x15: {  	[smem:$0x3FB9] =	sst s0;
	s0 =	simm.s32 @!p2 $0x0  }
0x16: {  	s3 =	sld [smem:$0x3FDB];
	s0 =	simm.s32 @p2 $0x1  }
0x17: {  	s4 =	simm.s32 $0x1BF5;
	[smem:$0x3FBB] =	sst s0  }
0x18: {  	s0 =	sld [smem:$0x3F9E];
	_ =	swait.ge [sflag:s4], $0x0  }
0x19: {  	s7 =	sld [smem:$0x3F9F]  }
0x1a: {  	s8 =	sadd.s32 $0xFFFFE003, lr  }
0x1b: {  	s9 =	sadd.s32 $0xFFFFFEF7, lr;
	s5 =	simm.s32 $0xFFFFFFFF;
	p2 =	slt.u32 s8, $0xFFFFF086  }
0x1c: {  	p1 =	slt.u32 s9, $0xF7A;
	s5 =	simm.s32 @!p2 $0x0  }
0x1d: {  	s5 =	simm.s32 @p1 $0x1;
	p0 =	seq.s32 s7, s2  }
0x1e: {  	s7 =	smul.u32 @!p0 $0xF7A, s2;
	p2 =	seq.s32 @!p0 s5, $0x0  }
0x1f: {  	s9 =	smul.u32 $0xF7A, s1;
	s8 =	simm.s32 @!p0 $0x1BF5;
	p2 =	por !p2, p0  }
0x20: {  	[sflag:s8] =	ssyncset.s32 @!p0 $0xFFFFF086;
	s6 =	sadd.s32 @!p0 s3, s7;
	s7 =	simm.s32 @!p0 $0x108  }
0x21: {  	s3 =	sadd.s32 s3, s9;
	s6 =	sadd.s32 @!p0 $0x88, s6;
	s7 =	simm.s32 @p2 $0x1082  }
0x22: {  	[simem:s7], [sflag:s8] =	dma.local @!p0 [hbm:s6], $0xF7A  }
0x23: {  	s9 =	sor.u32 $0xD0000000, s2;
	s6 =	simm.s32 $0x108;
	_ =	swait.ge @!p0 [sflag:s8], $0x0  }
0x24: {  	s3 =	sadd.s32 $0x88, s3;
	s6 =	simm.s32 @!p1 $0x1082;
	[sflag:s4] =	ssyncset.s32 $0xFFFFF086  }
0x25: {  	[simem:s6], [sflag:s4] =	dma.local [hbm:s3], $0xF7A  }
0x26: {  	[smem:$0x3F9F] =	sst s1;
	(tag) =	ssettag s2;
	_ =	strace s9  }
0x27: {  	s1 =	sld [smem:$0x3FAF]  }
0x28: {  	s2 =	sld [smem:$0x3FB0]  }
0x29: {  	s4 =	sld [smem:$0x3FB2]  }
0x2a: {  	p0 =	seq.s32 s5, $0x0;
	s5 =	sld [smem:$0x3FB3]  }
0x2b: {  	s6 =	sld [smem:$0x3FB4]  }
0x2c: {  	s7 =	sld [smem:$0x3FB5]  }
0x2d: {  	s3 =	simm.s32 $0x108;
	s8 =	sld [smem:$0x3FB6]  }
0x2e: {  	s3 =	simm.s32 @!p0 $0x1082;
	s9 =	sld [smem:$0x3FB7]  }
0x2f: {  	lr =	sadd.s32 s0, s3;
	s0 =	sld [smem:$0x3FAE]  }
0x30: {  	s3 =	sld [smem:$0x3FB1]  }
0x31: {  	[smem:$0x3FBA] =	sst s10  }
0x32: {  	s10 =	sld [smem:$0x3FB8];
	_ =	sdelay $0x3  }
0x33: {  	p0 =	seq.s32 s10, $0x1;
	s10 =	sld [smem:$0x3FBA];
	_ =	sdelay $0x3  }
0x34: {  	[smem:$0x3FBA] =	sst s10  }
0x35: {  	s10 =	sld [smem:$0x3FB9];
	_ =	sdelay $0x3  }
0x36: {  	p1 =	seq.s32 s10, $0x1;
	s10 =	sld [smem:$0x3FBA];
	_ =	sdelay $0x3  }
0x37: {  	[smem:$0x3FBA] =	sst s10  }
0x38: {  	s10 =	sld [smem:$0x3FBB]  }
0x39: {  	_ = 	snop;
	(pc) =	sbr.ind lr, $3  }
0x3a: {  	_ = 	snop  }
0x3b: {  	_ = 	snop  }
0x3c: {  	p2 =	seq.s32 s10, $0x1;
	s10 =	sld [smem:$0x3FBA]  }
0x3d: {  	_ =	shalt  }
0x3e: {  	_ =	shalt  }
0x3f: {  	_ =	shalt  }
0x40: {  	_ =	shalt  }
0x41: {  	_ =	shalt  }
0x42: {  	_ =	shalt  }
0x43: {  	_ =	shalt  }
0x44: {  	_ =	shalt  }
0x45: {  	_ =	shalt  }
0x46: {  	_ =	shalt  }
0x47: {  	_ =	shalt  }
0x48: {  	_ =	shalt  }
0x49: {  	_ =	shalt  }
0x4a: {  	_ =	shalt  }
0x4b: {  	_ =	shalt  }
0x4c: {  	_ =	shalt  }
0x4d: {  	_ =	shalt  }
0x4e: {  	_ =	shalt  }
0x4f: {  	_ =	shalt  }
0x50: {  	_ =	shalt  }
0x51: {  	_ =	shalt  }
0x52: {  	_ =	shalt  }
0x53: {  	_ =	shalt  }
0x54: {  	_ =	shalt  }
0x55: {  	_ =	shalt  }
0x56: {  	_ =	shalt  }
0x57: {  	_ =	shalt  }
0x58: {  	_ =	shalt  }
0x59: {  	_ =	shalt  }
0x5a: {  	_ =	shalt  }
0x5b: {  	_ =	shalt  }
0x5c: {  	_ =	shalt  }
0x5d: {  	_ =	shalt  }
0x5e: {  	_ =	shalt  }
0x5f: {  	_ =	shalt  }
0x60: {  	_ =	shalt  }
0x61: {  	_ =	shalt  }
0x62: {  	_ =	shalt  }
0x63: {  	_ =	shalt  }
0x64: {  	_ =	shalt  }
0x65: {  	_ =	shalt  }
0x66: {  	_ =	shalt  }
0x67: {  	_ =	shalt  }
0x68: {  	_ =	shalt  }
0x69: {  	_ =	shalt  }
0x6a: {  	_ =	shalt  }
0x6b: {  	_ =	shalt  }
0x6c: {  	_ =	shalt  }
0x6d: {  	_ =	shalt  }
0x6e: {  	_ =	shalt  }
0x6f: {  	_ =	shalt  }
0x70: {  	_ =	shalt  }
0x71: {  	_ =	shalt  }
0x72: {  	_ =	shalt  }
0x73: {  	_ =	shalt  }
0x74: {  	_ =	shalt  }
0x75: {  	_ =	shalt  }
0x76: {  	_ =	shalt  }
0x77: {  	_ =	shalt  }
0x78: {  	_ =	shalt  }
0x79: {  	_ =	shalt  }
0x7a: {  	_ =	shalt  }
0x7b: {  	_ =	shalt  }
0x7c: {  	_ =	shalt  }
0x7d: {  	_ =	shalt  }
0x7e: {  	_ =	shalt  }
0x7f: {  	_ =	shalt  }
0x80: {  	_ =	shalt  }
0x81: {  	_ =	shalt  }
0x82: {  	_ =	shalt  }
0x83: {  	_ =	shalt  }
0x84: {  	_ =	shalt  }
0x85: {  	_ =	shalt  }
0x86: {  	_ =	shalt  }
0x87: {  	_ =	shalt  }
.Lfunc_end0:
.L_simem_size_0:
called_computation_lowered:
.L_overlay_start_0:
0x88: {  	s2 =	sld [smem:$0x3FD9]  }
0x89: {  	s3 =	sld [smem:$0x3FFE];
	_ =	sdelay $0x1  }
0x8a: {  	s1 =	srdreg.scid  }
0x8b: {  	s0 =	sand.u32 $0x1, s1  }
0x8c: {  	s18 =	sshll.u32 s0, $0xA;
	s2 =	sadd.s32 s3, s2  }
0x8d: {  	s2 =	sadd.s32 s2, s18  }
0x8e: {  	[smem:$0x3FC6] =	sst s2  }
0x8f: {  	_ = 	snop  }
0x90: {  	s2 =	sld [smem:$0x3FC9]  }
0x91: {  	s19 =	sld [smem:$0x3FC8]  }
0x92: {  	s4 =	sld [smem:$0x3FD0];
	(tm) =	ssettm $0x1  }
0x93: {  	s5 =	sld [smem:$0x3FFB];
	_ =	sdelay $0x3  }
0x94: {  	_ =	strace s5  }
0x95: {  	s5 =	sld [smem:$0x3FFC];
	_ =	sdelay $0x3  }
0x96: {  	_ =	strace s5  }
0x97: {  	s5 =	sld [smem:$0x3FFD];
	_ =	sdelay $0x3  }
0x98: {  	_ =	strace s5  }
0x99: {  	_ =	strace $0x8FFFFFFF  }
0x9a: {  	s20 =	sld [smem:$0x3FDB];
	_ =	sdelay $0x1  }
0x9b: {  	s6 =	simm.s32 $_scs_section_size  }
0x9c: {  	s7 =	simm.s32 $_size__tile_overlayer_lowered;
	s8 =	simm.s32 $_tile_overlayer_lowered  }
0x9d: {  	s23 =	simm.s32 $0x1BFF;
	s22 =	sshll.u32 s8, $0x1;
	s5 =	sadd.s32 s6, s20  }
0x9e: {  	s9 =	simm.s32 $0x0;
	s21 =	sshll.u32 s7, $0x1;
	s7 =	sadd.s32 s22, s5  }
0x9f: {  	[timem:s9], [sflag:s23] =	dma.local [hbm:s7], s21  }
0xa0: {  	_ =	swait.ge [sflag:s23], s21  }
0xa1: {  	s6 =	ssub.s32 $0x0, s21;
	[sflag:s23] =	ssyncset.done $0x0  }
0xa2: {  	[sflag:s23] =	ssyncadd.s32 s6;
	_ =	sdelay $0x1  }
0xa3: {  	s24 =	simm.s32 $0x1B8B  }
0xa4: {  	_ =	swait.ge [sflag:s24], $0x1  }
0xa5: {  	[sflag:s24] =	ssyncset.done $0x0  }
0xa6: {  	s25 =	simm.s32 $0x1B8E;
	[sflag:s24] =	ssyncadd.s32 $0xFFFFFFFF  }
0xa7: {  	s26 =	simm.s32 $execute0_lowered;
	[smem:$0x3FD2] =	sst s25  }
0xa8: {  	s6 =	sshll.u32 s26, $0x1;
	_ =	strace $0x80000046;
	[dreg:$0x1] =	wrdreg $0xFFFFFFFF  }
0xa9: {  	s28 =	simm.s32 $_size_execute0_lowered;
	s5 =	sadd.s32 s5, s6;
	[dreg:$0x0] =	wrdreg $0x0  }
0xaa: {  	s6 =	sshll.u32 s28, $0x1;
	[dreg:$0x2] =	wrdreg s5  }
0xab: {  	[dreg:$0x3] =	wrdreg s6  }
0xac: {  	[dreg:$0x4] =	wrdreg $0xC0  }
0xad: {  	_ =	task [dreg:s9], $0x5FFFF  }
0xae: {  	[dreg:$0x1] =	wrdreg $0xFFFFFFFF  }
0xaf: {  	[dreg:$0x0] =	wrdreg $0x60  }
0xb0: {  	[dreg:$0x2] =	wrdreg s2  }
0xb1: {  	[dreg:$0x3] =	wrdreg s19  }
0xb2: {  	[dreg:$0x4] =	wrdreg s4  }
0xb3: {  	[dreg:$0x5] =	wrdreg $0x9  }
0xb4: {  	_ =	task.clear_ibuf [dreg:s9], $0x6FFFF;
	_ =	strace $0x90000046  }
0xb5: {  	s29 =	simm.s32 $0x9;
	_ =	strace $0x80000048  }
0xb6: {  	_ =	swait.ge [sflag:s29], $0x1  }
0xb7: {  	[sflag:s29] =	ssyncadd.s32 $0xFFFFFFFF  }
0xb8: {  	_ =	strace $0x90000048  }
0xb9: {  	_ =	sfence  }
0xba: {  	s30 =	sld [smem:$0x0];
	_ =	sdelay $0x2  }
0xbb: {  	s31 =	sshll.u32 s1, $0xD;
	s1 =	sshrl.u32 s1, $0x2  }
0xbc: {  	s3 =	sand.u32 $0x4000, s31;
	s1 =	sadd.s32 s1, s30  }
0xbd: {  	s0 =	sor.u32 s3, s0;
	s1 =	sshll.u32 s1, $0x11  }
0xbe: {  	s0 =	sor.u32 s1, s0  }
0xbf: {  	s0 =	sadd.s32 $0x8F2B, s0  }
0xc0: {  	[sflag:s0] =	ssyncadd.remote.s32 $0x1  }
0xc1: {  	_ =	sfence.sel $0xFFFF  }
0xc2: {  	[dreg:$0x0] =	wrdreg $0xFFFFFFFF;
	(pc) =	sbr.abs _section_cstart, $3  }
0xc3: {  	[dreg:$0x1] =	wrdreg $0xFFFFFFFF  }
0xc4: {  	_ =	task.clear_ibuf [dreg:s9], $0x2FFFF;
	_ =	strace $0x9FFFFFFF  }
0xc5: {  	(tm) =	ssettm $0x7FFFFFFF  }
tec
execute0_lowered:
.L_overlay_start_1:
0x0: {  	(tag) =	ssettag $0x1  }
0x1: {  	s0 =	rddreg [dreg:$0x0]  }
0x2: {  	s2 =	rddreg [dreg:$0x1]  }
0x3: {  	s1 =	rddreg [dreg:$0x2];
	s6 =	stileid.u32  }
0x4: {  	s4 =	srdreg.scid;
	s3 =	simm.s32 $0x0;
	s26 =	simm.s32 $0x80  }
0x5: {  	s5 =	sshll.u32 s6, $0x1;
	s4 =	sand.u32 $0x1, s4;
	s6 =	sshrl.u32 s6, $0x3  }
0x6: {  	[smem:$0x7FF] =	sst s3;
	s5 =	sand.u32 $0xE, s5;
	s8 =	sshll.u32 s6, $0x4  }
0x7: {  	s6 =	sshll.u32 s6, $0x13;
	_ =	strace $0x80000047;
	s5 =	sor.u32 s4, s5  }
0x8: {  	s0 =	sadd.s32 s0, s8;
	s7 =	sshll.u32 s5, $0xF;
	s5 =	sshll.u32 s5, $0x6  }
0x9: {  	[dreg:$0x14] =	wrdreg s26;
	s6 =	sor.u32 s6, s7;
	s0 =	sadd.s32 s5, s0  }
0xa: {  	s7 =	sadd.s32 s1, s6;
	[dreg:$0x4] =	wrdreg s0  }
0xb: {  	s10 =	sadd.s32 $0x800, s7;
	[dreg:$0x15] =	wrdreg s7  }
0xc: {  	s28 =	simm.s32 $0x4;
	s11 =	sadd.s32 $0x1000, s7;
	[dreg:$0x5] =	wrdreg s10  }
0xd: {  	s29 =	simm.s32 $0x9;
	s12 =	sadd.s32 $0x1800, s7;
	[dreg:$0x6] =	wrdreg s11  }
0xe: {  	s31 =	simm.s32 $0xA;
	s13 =	sadd.s32 $0x2000, s7;
	[dreg:$0x7] =	wrdreg s12  }
0xf: {  	s30 =	simm.s32 $0x8100;
	s14 =	sadd.s32 $0x2800, s7;
	[dreg:$0x8] =	wrdreg s13  }
0x10: {  	s9 =	simm.s32 $0x11100;
	s15 =	sadd.s32 $0x3000, s7;
	[dreg:$0x9] =	wrdreg s14  }
0x11: {  	s20 =	ssub.s32 $0x2, s4;
	s16 =	sadd.s32 $0x3800, s7;
	[dreg:$0xa] =	wrdreg s15  }
0x12: {  	s26 =	simm.s32 $0x4100;
	s17 =	sadd.s32 $0x4000, s7;
	[dreg:$0xb] =	wrdreg s16  }
0x13: {  	s4 =	sshrl.u32 s20, $0x1;
	s18 =	sadd.s32 $0x4800, s7;
	[dreg:$0xc] =	wrdreg s17  }
0x14: {  	s5 =	sadd.s32 $0x100, s2;
	s19 =	sadd.s32 $0x5000, s7;
	[dreg:$0xd] =	wrdreg s18  }
0x15: {  	s1 =	ssub.s32 s20, s4;
	s21 =	sadd.s32 $0x5800, s7;
	[dreg:$0xe] =	wrdreg s19  }
0x16: {  	s6 =	sadd.s32 $0x200, s2;
	s22 =	sadd.s32 $0x6000, s7;
	[dreg:$0xf] =	wrdreg s21  }
0x17: {  	s0 =	simm.s32 $0x100;
	s23 =	sadd.s32 $0x6800, s7;
	[dreg:$0x10] =	wrdreg s22  }
0x18: {  	s24 =	sadd.s32 $0x7000, s7;
	s25 =	sadd.s32 $0x7800, s7;
	[dreg:$0x11] =	wrdreg s23  }
0x19: {  	s7 =	sadd.s32 $0x300, s2;
	s8 =	smax.u32 s1, $0x1;
	[dreg:$0x12] =	wrdreg s24  }
0x1a: {  	[dreg:$0x13] =	wrdreg s25;
	s16 =	simm.s32 $0x1;
	s22 =	simm.s32 $0x2  }
0x1b: {  	v2 =	vlaneseq.u32;
	s23 =	simm.s32 $0x7;
	s24 =	simm.s32 $0x3;
	s25 =	simm.s32 $0x8  }
0x1c: {  	vm0 =	vmmov $0xffff;
	v1 =	vshrl.u32 v2, $0x3;
	s10 =	simm.s32 $0xC100;
	s18 =	simm.s32 $0x10100;
	s21 =	simm.s32 $0x10900  }
0x1d: {  	v0 =	vand.u32 $0x7, v2;
	v2 =	vor.u32 $0x8, v2;
	v1 =	vmul.u32 $0x8, v1;
	s13 =	simm.s32 $0x12900;
	s14 =	simm.s32 $0x13100;
	s15 =	simm.s32 $0x13900  }
.LBB2_1:
0x1e: {  	s11 =	rddreg [dreg:$0x4]  }
0x1f: {  	s12 =	rddreg [dreg:$0x14];
	s1 =	simm.s32 $0xD  }
0x20: {  	[tilespmem:s3], [sflag:$0xD] =	stream.strided.gather [hbm4b:s11+s12], $0x100, s0, s12, $0x38;
	[tilespmem:$0x18100] =	vst v63  }
0x21: {  	_ =	swait.ge [sflag:s1], $0x100  }
0x22: {  	[sflag:s1] =	ssyncset.done $0x0  }
0x23: {  	[sflag:s1] =	ssyncadd.s32 $0xFFFFFF00  }
0x24: {  	v3 =	vld [tilespmem:$0x0];
	_ =	sdelay $0x4  }
0x25: {  	v4 =	vshll.u32 v3, $0x3  }
0x26: {  	v3 =	vand.u32 $0x7, v3;
	v4 =	vand.u32 $0xFFFFFFC0, v4  }
0x27: {  	v3 =	vor.u32 v3, v4  }
0x28: {  	v4 =	vperm.xlane v3, v0;
	_ =	sdelay $0x1  }
0x29: {  	v4 =	vadd.s32 v1, v4;
	_ =	sdelay $0x4  }
0x2a: {  	[tilespmem:s0], [sflag:$0x1] =	stream.indirect_vreg.gather [hbm4b:s2+s3], $0x80, v4, vm0, $0xb8;
	[tilespmem:$0x18100] =	vst v63  }
0x2b: {  	s1 =	simm.s32 $0x900;
	v3 =	vperm.xlane v3, v2  }
0x2c: {  	[tilespmem:s1], [sflag:$0x1] =	stream.indirect_vreg.gather [hbm4b:s5+s3], $0x80, v4, vm0, $0xb8;
	[tilespmem:$0x18100] =	vst v63  }
0x2d: {  	s4 =	simm.s32 $0x1100;
	v3 =	vadd.s32 v1, v3  }
0x2e: {  	[tilespmem:s4], [sflag:$0x1] =	stream.indirect_vreg.gather [hbm4b:s6+s3], $0x80, v4, vm0, $0xb8;
	[tilespmem:$0x18100] =	vst v63  }
0x2f: {  	s11 =	simm.s32 $0x1900  }
0x30: {  	[tilespmem:s11], [sflag:$0x1] =	stream.indirect_vreg.gather [hbm4b:s7+s3], $0x80, v4, vm0, $0xb8;
	[tilespmem:$0x18100] =	vst v63  }
0x31: {  	s12 =	simm.s32 $0x2100  }
0x32: {  	[tilespmem:s12], [sflag:$0x1] =	stream.indirect_vreg.gather [hbm4b:s2+s3], $0x80, v3, vm0, $0xb8;
	[tilespmem:$0x18100] =	vst v63  }
0x33: {  	s19 =	simm.s32 $0x2900  }
0x34: {  	[tilespmem:s19], [sflag:$0x1] =	stream.indirect_vreg.gather [hbm4b:s5+s3], $0x80, v3, vm0, $0xb8;
	[tilespmem:$0x18100] =	vst v63  }
0x35: {  	s4 =	simm.s32 $0x3100  }
0x36: {  	[tilespmem:s4], [sflag:$0x1] =	stream.indirect_vreg.gather [hbm4b:s6+s3], $0x80, v3, vm0, $0xb8;
	[tilespmem:$0x18100] =	vst v63  }
0x37: {  	s11 =	simm.s32 $0x3900  }
0x38: {  	[tilespmem:s11], [sflag:$0x1] =	stream.indirect_vreg.gather [hbm4b:s7+s3], $0x80, v3, vm0, $0xb8;
	[tilespmem:$0x18100] =	vst v63  }
0x39: {  	v3 =	vld [tilespmem:$0x10];
	_ =	sdelay $0x4  }
0x3a: {  	v49 =	vshll.u32 v3, $0x3  }
0x3b: {  	v3 =	vand.u32 $0x7, v3;
	v4 =	vand.u32 $0xFFFFFFC0, v49  }
0x3c: {  	v3 =	vor.u32 v3, v4  }
0x3d: {  	v4 =	vperm.xlane v3, v0;
	_ =	sdelay $0x1  }
0x3e: {  	v4 =	vadd.s32 v1, v4;
	_ =	sdelay $0x4  }
0x3f: {  	[tilespmem:s26], [sflag:$0x2] =	stream.indirect_vreg.gather [hbm4b:s2+s3], $0x80, v4, vm0, $0xb8;
	[tilespmem:$0x18100] =	vst v63  }
0x40: {  	s12 =	simm.s32 $0x4900;
	v3 =	vperm.xlane v3, v2  }
0x41: {  	[tilespmem:s12], [sflag:$0x2] =	stream.indirect_vreg.gather [hbm4b:s5+s3], $0x80, v4, vm0, $0xb8;
	[tilespmem:$0x18100] =	vst v63  }
0x42: {  	s4 =	simm.s32 $0x5100;
	v3 =	vadd.s32 v1, v3  }
0x43: {  	[tilespmem:s4], [sflag:$0x2] =	stream.indirect_vreg.gather [hbm4b:s6+s3], $0x80, v4, vm0, $0xb8;
	[tilespmem:$0x18100] =	vst v63  }
0x44: {  	s11 =	simm.s32 $0x5900  }
0x45: {  	[tilespmem:s11], [sflag:$0x2] =	stream.indirect_vreg.gather [hbm4b:s7+s3], $0x80, v4, vm0, $0xb8;
	[tilespmem:$0x18100] =	vst v63  }
0x46: {  	s12 =	simm.s32 $0x6100  }
0x47: {  	[tilespmem:s12], [sflag:$0x2] =	stream.indirect_vreg.gather [hbm4b:s2+s3], $0x80, v3, vm0, $0xb8;
	[tilespmem:$0x18100] =	vst v63  }
0x48: {  	s4 =	simm.s32 $0x6900  }
0x49: {  	[tilespmem:s4], [sflag:$0x2] =	stream.indirect_vreg.gather [hbm4b:s5+s3], $0x80, v3, vm0, $0xb8;
	[tilespmem:$0x18100] =	vst v63  }
0x4a: {  	s11 =	simm.s32 $0x7100  }
0x4b: {  	[tilespmem:s11], [sflag:$0x2] =	stream.indirect_vreg.gather [hbm4b:s6+s3], $0x80, v3, vm0, $0xb8;
	[tilespmem:$0x18100] =	vst v63  }
0x4c: {  	s12 =	simm.s32 $0x7900  }
0x4d: {  	[tilespmem:s12], [sflag:$0x2] =	stream.indirect_vreg.gather [hbm4b:s7+s3], $0x80, v3, vm0, $0xb8;
	[tilespmem:$0x18100] =	vst v63  }
0x4e: {  	v3 =	vld [tilespmem:$0x20];
	_ =	sdelay $0x4  }
0x4f: {  	v50 =	vshll.u32 v3, $0x3  }
0x50: {  	v3 =	vand.u32 $0x7, v3;
	v4 =	vand.u32 $0xFFFFFFC0, v50  }
0x51: {  	v3 =	vor.u32 v3, v4  }
0x52: {  	v4 =	vperm.xlane v3, v0;
	_ =	sdelay $0x1  }
0x53: {  	v4 =	vadd.s32 v1, v4;
	_ =	sdelay $0x4  }
0x54: {  	[tilespmem:s30], [sflag:$0x3] =	stream.indirect_vreg.gather [hbm4b:s2+s3], $0x80, v4, vm0, $0xb8;
	[tilespmem:$0x18100] =	vst v63  }
0x55: {  	s4 =	simm.s32 $0x8900;
	v3 =	vperm.xlane v3, v2  }
0x56: {  	[tilespmem:s4], [sflag:$0x3] =	stream.indirect_vreg.gather [hbm4b:s5+s3], $0x80, v4, vm0, $0xb8;
	[tilespmem:$0x18100] =	vst v63  }
0x57: {  	s11 =	simm.s32 $0x9100;
	v3 =	vadd.s32 v1, v3  }
0x58: {  	[tilespmem:s11], [sflag:$0x3] =	stream.indirect_vreg.gather [hbm4b:s6+s3], $0x80, v4, vm0, $0xb8;
	[tilespmem:$0x18100] =	vst v63  }
0x59: {  	s12 =	simm.s32 $0x9900  }
0x5a: {  	[tilespmem:s12], [sflag:$0x3] =	stream.indirect_vreg.gather [hbm4b:s7+s3], $0x80, v4, vm0, $0xb8;
	[tilespmem:$0x18100] =	vst v63  }
0x5b: {  	s4 =	simm.s32 $0xA100  }
0x5c: {  	[tilespmem:s4], [sflag:$0x3] =	stream.indirect_vreg.gather [hbm4b:s2+s3], $0x80, v3, vm0, $0xb8;
	[tilespmem:$0x18100] =	vst v63  }
0x5d: {  	s11 =	simm.s32 $0xA900  }
0x5e: {  	[tilespmem:s11], [sflag:$0x3] =	stream.indirect_vreg.gather [hbm4b:s5+s3], $0x80, v3, vm0, $0xb8;
	[tilespmem:$0x18100] =	vst v63  }
0x5f: {  	s12 =	simm.s32 $0xB100  }
0x60: {  	[tilespmem:s12], [sflag:$0x3] =	stream.indirect_vreg.gather [hbm4b:s6+s3], $0x80, v3, vm0, $0xb8;
	[tilespmem:$0x18100] =	vst v63  }
0x61: {  	s4 =	simm.s32 $0xB900  }
0x62: {  	[tilespmem:s4], [sflag:$0x3] =	stream.indirect_vreg.gather [hbm4b:s7+s3], $0x80, v3, vm0, $0xb8;
	[tilespmem:$0x18100] =	vst v63  }
0x63: {  	v3 =	vld [tilespmem:$0x30];
	_ =	sdelay $0x4  }
0x64: {  	v51 =	vshll.u32 v3, $0x3  }
0x65: {  	v3 =	vand.u32 $0x7, v3;
	v4 =	vand.u32 $0xFFFFFFC0, v51  }
0x66: {  	v3 =	vor.u32 v3, v4  }
0x67: {  	v4 =	vperm.xlane v3, v0;
	_ =	sdelay $0x1  }
0x68: {  	v4 =	vadd.s32 v1, v4;
	_ =	sdelay $0x4  }
0x69: {  	[tilespmem:s10], [sflag:$0x4] =	stream.indirect_vreg.gather [hbm4b:s2+s3], $0x80, v4, vm0, $0xb8;
	[tilespmem:$0x18100] =	vst v63  }
0x6a: {  	s11 =	simm.s32 $0xC900;
	v3 =	vperm.xlane v3, v2  }
0x6b: {  	[tilespmem:s11], [sflag:$0x4] =	stream.indirect_vreg.gather [hbm4b:s5+s3], $0x80, v4, vm0, $0xb8;
	[tilespmem:$0x18100] =	vst v63  }
0x6c: {  	s12 =	simm.s32 $0xD100;
	v3 =	vadd.s32 v1, v3  }
0x6d: {  	[tilespmem:s12], [sflag:$0x4] =	stream.indirect_vreg.gather [hbm4b:s6+s3], $0x80, v4, vm0, $0xb8;
	[tilespmem:$0x18100] =	vst v63  }
0x6e: {  	s4 =	simm.s32 $0xD900  }
0x6f: {  	[tilespmem:s4], [sflag:$0x4] =	stream.indirect_vreg.gather [hbm4b:s7+s3], $0x80, v4, vm0, $0xb8;
	[tilespmem:$0x18100] =	vst v63  }
0x70: {  	s11 =	simm.s32 $0xE100  }
0x71: {  	[tilespmem:s11], [sflag:$0x4] =	stream.indirect_vreg.gather [hbm4b:s2+s3], $0x80, v3, vm0, $0xb8;
	[tilespmem:$0x18100] =	vst v63  }
0x72: {  	s12 =	simm.s32 $0xE900  }
0x73: {  	[tilespmem:s12], [sflag:$0x4] =	stream.indirect_vreg.gather [hbm4b:s5+s3], $0x80, v3, vm0, $0xb8;
	[tilespmem:$0x18100] =	vst v63  }
0x74: {  	s4 =	simm.s32 $0xF100  }
0x75: {  	[tilespmem:s4], [sflag:$0x4] =	stream.indirect_vreg.gather [hbm4b:s6+s3], $0x80, v3, vm0, $0xb8;
	[tilespmem:$0x18100] =	vst v63  }
0x76: {  	s11 =	simm.s32 $0xF900  }
0x77: {  	[tilespmem:s11], [sflag:$0x4] =	stream.indirect_vreg.gather [hbm4b:s7+s3], $0x80, v3, vm0, $0xb8;
	[tilespmem:$0x18100] =	vst v63  }
0x78: {  	v3 =	vld [tilespmem:$0x40];
	_ =	sdelay $0x4  }
0x79: {  	v52 =	vshll.u32 v3, $0x3  }
0x7a: {  	v3 =	vand.u32 $0x7, v3;
	v4 =	vand.u32 $0xFFFFFFC0, v52  }
0x7b: {  	v3 =	vor.u32 v3, v4  }
0x7c: {  	v4 =	vperm.xlane v3, v0;
	_ =	sdelay $0x1  }
0x7d: {  	v4 =	vadd.s32 v1, v4;
	_ =	sdelay $0x4  }
0x7e: {  	[tilespmem:s18], [sflag:$0x5] =	stream.indirect_vreg.gather [hbm4b:s2+s3], $0x80, v4, vm0, $0xb8;
	[tilespmem:$0x18100] =	vst v63  }
0x7f: {  	v3 =	vperm.xlane v3, v2  }
0x80: {  	[tilespmem:s21], [sflag:$0x5] =	stream.indirect_vreg.gather [hbm4b:s5+s3], $0x80, v4, vm0, $0xb8;
	[tilespmem:$0x18100] =	vst v63  }
0x81: {  	v3 =	vadd.s32 v1, v3  }
0x82: {  	[tilespmem:s9], [sflag:$0x5] =	stream.indirect_vreg.gather [hbm4b:s6+s3], $0x80, v4, vm0, $0xb8;
	[tilespmem:$0x18100] =	vst v63  }
0x83: {  	s1 =	simm.s32 $0x11900  }
0x84: {  	[tilespmem:s1], [sflag:$0x5] =	stream.indirect_vreg.gather [hbm4b:s7+s3], $0x80, v4, vm0, $0xb8;
	[tilespmem:$0x18100] =	vst v63  }
0x85: {  	s4 =	simm.s32 $0x12100  }
0x86: {  	[tilespmem:s4], [sflag:$0x5] =	stream.indirect_vreg.gather [hbm4b:s2+s3], $0x80, v3, vm0, $0xb8;
	[tilespmem:$0x18100] =	vst v63  }
0x87: {  	_ = 	snop  }
0x88: {  	[tilespmem:s13], [sflag:$0x5] =	stream.indirect_vreg.gather [hbm4b:s5+s3], $0x80, v3, vm0, $0xb8;
	[tilespmem:$0x18100] =	vst v63  }
0x89: {  	_ = 	snop  }
0x8a: {  	[tilespmem:s14], [sflag:$0x5] =	stream.indirect_vreg.gather [hbm4b:s6+s3], $0x80, v3, vm0, $0xb8;
	[tilespmem:$0x18100] =	vst v63  }
0x8b: {  	_ = 	snop  }
0x8c: {  	[tilespmem:s15], [sflag:$0x5] =	stream.indirect_vreg.gather [hbm4b:s7+s3], $0x80, v3, vm0, $0xb8;
	[tilespmem:$0x18100] =	vst v63  }
0x8d: {  	_ =	swait.ge [sflag:s16], $0x4000  }
0x8e: {  	[sflag:s16] =	ssyncset.done $0x0  }
0x8f: {  	s12 =	rddreg [dreg:$0x15];
	[sflag:s16] =	ssyncadd.s32 $0xFFFFC000  }
0x90: {  	[hbm4b:s12+s3] =	stream.linear.scatter [tilespmem:s0], [sflag:$0x7], $0x4000, $0x38;
	[tilespmem:$0x18100] =	vst v63  }
0x91: {  	v3 =	vld [tilespmem:$0x50];
	_ =	sdelay $0x4  }
0x92: {  	v53 =	vshll.u32 v3, $0x3  }
0x93: {  	v3 =	vand.u32 $0x7, v3;
	v4 =	vand.u32 $0xFFFFFFC0, v53  }
0x94: {  	v3 =	vor.u32 v3, v4  }
0x95: {  	v4 =	vperm.xlane v3, v0;
	_ =	sdelay $0x1  }
0x96: {  	v4 =	vadd.s32 v1, v4;
	_ =	sdelay $0x3  }
0x97: {  	s12 =	simm.s32 $0x14100  }
0x98: {  	[tilespmem:s12], [sflag:$0x6] =	stream.indirect_vreg.gather [hbm4b:s2+s3], $0x80, v4, vm0, $0xb8;
	[tilespmem:$0x18100] =	vst v63  }
0x99: {  	s11 =	simm.s32 $0x14900;
	v3 =	vperm.xlane v3, v2  }
0x9a: {  	[tilespmem:s11], [sflag:$0x6] =	stream.indirect_vreg.gather [hbm4b:s5+s3], $0x80, v4, vm0, $0xb8;
	[tilespmem:$0x18100] =	vst v63  }
0x9b: {  	v3 =	vadd.s32 v1, v3;
	s11 =	simm.s32 $0x15100  }
0x9c: {  	[tilespmem:s11], [sflag:$0x6] =	stream.indirect_vreg.gather [hbm4b:s6+s3], $0x80, v4, vm0, $0xb8;
	[tilespmem:$0x18100] =	vst v63  }
0x9d: {  	s11 =	simm.s32 $0x15900  }
0x9e: {  	[tilespmem:s11], [sflag:$0x6] =	stream.indirect_vreg.gather [hbm4b:s7+s3], $0x80, v4, vm0, $0xb8;
	[tilespmem:$0x18100] =	vst v63  }
0x9f: {  	s11 =	simm.s32 $0x16100  }
0xa0: {  	[tilespmem:s11], [sflag:$0x6] =	stream.indirect_vreg.gather [hbm4b:s2+s3], $0x80, v3, vm0, $0xb8;
	[tilespmem:$0x18100] =	vst v63  }
0xa1: {  	s11 =	simm.s32 $0x16900  }
0xa2: {  	[tilespmem:s11], [sflag:$0x6] =	stream.indirect_vreg.gather [hbm4b:s5+s3], $0x80, v3, vm0, $0xb8;
	[tilespmem:$0x18100] =	vst v63  }
0xa3: {  	s11 =	simm.s32 $0x17100  }
0xa4: {  	[tilespmem:s11], [sflag:$0x6] =	stream.indirect_vreg.gather [hbm4b:s6+s3], $0x80, v3, vm0, $0xb8;
	[tilespmem:$0x18100] =	vst v63  }
0xa5: {  	s11 =	simm.s32 $0x17900  }
0xa6: {  	[tilespmem:s11], [sflag:$0x6] =	stream.indirect_vreg.gather [hbm4b:s7+s3], $0x80, v3, vm0, $0xb8;
	[tilespmem:$0x18100] =	vst v63  }
0xa7: {  	_ =	swait.ge [sflag:s22], $0x4000  }
0xa8: {  	[sflag:s22] =	ssyncset.done $0x0  }
0xa9: {  	s11 =	rddreg [dreg:$0x5];
	[sflag:s22] =	ssyncadd.s32 $0xFFFFC000  }
0xaa: {  	[hbm4b:s11+s3] =	stream.linear.scatter [tilespmem:s26], [sflag:$0x8], $0x4000, $0x38;
	[tilespmem:$0x18100] =	vst v63  }
0xab: {  	_ =	swait.ge [sflag:s23], $0x4000  }
0xac: {  	[sflag:s23] =	ssyncset.done $0x0  }
0xad: {  	[sflag:s23] =	ssyncadd.s32 $0xFFFFC000  }
0xae: {  	v3 =	vld [tilespmem:$0x60];
	_ =	sdelay $0x4  }
0xaf: {  	v54 =	vshll.u32 v3, $0x3  }
0xb0: {  	v3 =	vand.u32 $0x7, v3;
	v4 =	vand.u32 $0xFFFFFFC0, v54  }
0xb1: {  	v3 =	vor.u32 v3, v4  }
0xb2: {  	v4 =	vperm.xlane v3, v0;
	_ =	sdelay $0x1  }
0xb3: {  	v4 =	vadd.s32 v1, v4;
	_ =	sdelay $0x4  }
0xb4: {  	[tilespmem:s0], [sflag:$0x1] =	stream.indirect_vreg.gather [hbm4b:s2+s3], $0x80, v4, vm0, $0xb8;
	[tilespmem:$0x18100] =	vst v63  }
0xb5: {  	s17 =	simm.s32 $0x900;
	v3 =	vperm.xlane v3, v2  }
0xb6: {  	[tilespmem:s17], [sflag:$0x1] =	stream.indirect_vreg.gather [hbm4b:s5+s3], $0x80, v4, vm0, $0xb8;
	[tilespmem:$0x18100] =	vst v63  }
0xb7: {  	v3 =	vadd.s32 v1, v3;
	s17 =	simm.s32 $0x1100  }
0xb8: {  	[tilespmem:s17], [sflag:$0x1] =	stream.indirect_vreg.gather [hbm4b:s6+s3], $0x80, v4, vm0, $0xb8;
	[tilespmem:$0x18100] =	vst v63  }
0xb9: {  	s17 =	simm.s32 $0x1900  }
0xba: {  	[tilespmem:s17], [sflag:$0x1] =	stream.indirect_vreg.gather [hbm4b:s7+s3], $0x80, v4, vm0, $0xb8;
	[tilespmem:$0x18100] =	vst v63  }
0xbb: {  	s20 =	simm.s32 $0x2100  }
0xbc: {  	[tilespmem:s20], [sflag:$0x1] =	stream.indirect_vreg.gather [hbm4b:s2+s3], $0x80, v3, vm0, $0xb8;
	[tilespmem:$0x18100] =	vst v63  }
0xbd: {  	s17 =	simm.s32 $0x2900  }
0xbe: {  	[tilespmem:s17], [sflag:$0x1] =	stream.indirect_vreg.gather [hbm4b:s5+s3], $0x80, v3, vm0, $0xb8;
	[tilespmem:$0x18100] =	vst v63  }
0xbf: {  	s20 =	simm.s32 $0x3100  }
0xc0: {  	[tilespmem:s20], [sflag:$0x1] =	stream.indirect_vreg.gather [hbm4b:s6+s3], $0x80, v3, vm0, $0xb8;
	[tilespmem:$0x18100] =	vst v63  }
0xc1: {  	s19 =	simm.s32 $0x3900  }
0xc2: {  	[tilespmem:s19], [sflag:$0x1] =	stream.indirect_vreg.gather [hbm4b:s7+s3], $0x80, v3, vm0, $0xb8;
	[tilespmem:$0x18100] =	vst v63  }
0xc3: {  	_ =	swait.ge [sflag:s24], $0x4000  }
0xc4: {  	[sflag:s24] =	ssyncset.done $0x0  }
0xc5: {  	s17 =	rddreg [dreg:$0x6];
	[sflag:s24] =	ssyncadd.s32 $0xFFFFC000  }
0xc6: {  	[hbm4b:s17+s3] =	stream.linear.scatter [tilespmem:s30], [sflag:$0x9], $0x4000, $0x38;
	[tilespmem:$0x18100] =	vst v63  }
0xc7: {  	_ =	swait.ge [sflag:s25], $0x4000  }
0xc8: {  	[sflag:s25] =	ssyncset.done $0x0  }
0xc9: {  	[sflag:s25] =	ssyncadd.s32 $0xFFFFC000  }
0xca: {  	v3 =	vld [tilespmem:$0x70];
	_ =	sdelay $0x4  }
0xcb: {  	v55 =	vshll.u32 v3, $0x3  }
0xcc: {  	v3 =	vand.u32 $0x7, v3;
	v4 =	vand.u32 $0xFFFFFFC0, v55  }
0xcd: {  	v3 =	vor.u32 v3, v4  }
0xce: {  	v4 =	vperm.xlane v3, v0;
	_ =	sdelay $0x1  }
0xcf: {  	v4 =	vadd.s32 v1, v4;
	_ =	sdelay $0x4  }
0xd0: {  	[tilespmem:s26], [sflag:$0x2] =	stream.indirect_vreg.gather [hbm4b:s2+s3], $0x80, v4, vm0, $0xb8;
	[tilespmem:$0x18100] =	vst v63  }
0xd1: {  	s19 =	simm.s32 $0x4900;
	v3 =	vperm.xlane v3, v2  }
0xd2: {  	[tilespmem:s19], [sflag:$0x2] =	stream.indirect_vreg.gather [hbm4b:s5+s3], $0x80, v4, vm0, $0xb8;
	[tilespmem:$0x18100] =	vst v63  }
0xd3: {  	s20 =	simm.s32 $0x5100;
	v3 =	vadd.s32 v1, v3  }
0xd4: {  	[tilespmem:s20], [sflag:$0x2] =	stream.indirect_vreg.gather [hbm4b:s6+s3], $0x80, v4, vm0, $0xb8;
	[tilespmem:$0x18100] =	vst v63  }
0xd5: {  	s17 =	simm.s32 $0x5900  }
0xd6: {  	[tilespmem:s17], [sflag:$0x2] =	stream.indirect_vreg.gather [hbm4b:s7+s3], $0x80, v4, vm0, $0xb8;
	[tilespmem:$0x18100] =	vst v63  }
0xd7: {  	s19 =	simm.s32 $0x6100  }
0xd8: {  	[tilespmem:s19], [sflag:$0x2] =	stream.indirect_vreg.gather [hbm4b:s2+s3], $0x80, v3, vm0, $0xb8;
	[tilespmem:$0x18100] =	vst v63  }
0xd9: {  	s20 =	simm.s32 $0x6900  }
0xda: {  	[tilespmem:s20], [sflag:$0x2] =	stream.indirect_vreg.gather [hbm4b:s5+s3], $0x80, v3, vm0, $0xb8;
	[tilespmem:$0x18100] =	vst v63  }
0xdb: {  	s17 =	simm.s32 $0x7100  }
0xdc: {  	[tilespmem:s17], [sflag:$0x2] =	stream.indirect_vreg.gather [hbm4b:s6+s3], $0x80, v3, vm0, $0xb8;
	[tilespmem:$0x18100] =	vst v63  }
0xdd: {  	s19 =	simm.s32 $0x7900  }
0xde: {  	[tilespmem:s19], [sflag:$0x2] =	stream.indirect_vreg.gather [hbm4b:s7+s3], $0x80, v3, vm0, $0xb8;
	[tilespmem:$0x18100] =	vst v63  }
0xdf: {  	_ =	swait.ge [sflag:s28], $0x4000  }
0xe0: {  	[sflag:s28] =	ssyncset.done $0x0  }
0xe1: {  	s20 =	rddreg [dreg:$0x7];
	[sflag:s28] =	ssyncadd.s32 $0xFFFFC000  }
0xe2: {  	[hbm4b:s20+s3] =	stream.linear.scatter [tilespmem:s10], [sflag:$0xA], $0x4000, $0x38;
	[tilespmem:$0x18100] =	vst v63  }
0xe3: {  	_ =	swait.ge [sflag:s29], $0x4000  }
0xe4: {  	[sflag:s29] =	ssyncset.done $0x0  }
0xe5: {  	[sflag:s29] =	ssyncadd.s32 $0xFFFFC000  }
0xe6: {  	v3 =	vld [tilespmem:$0x80];
	_ =	sdelay $0x4  }
0xe7: {  	v56 =	vshll.u32 v3, $0x3  }
0xe8: {  	v3 =	vand.u32 $0x7, v3;
	v4 =	vand.u32 $0xFFFFFFC0, v56  }
0xe9: {  	v3 =	vor.u32 v3, v4  }
0xea: {  	v4 =	vperm.xlane v3, v0;
	_ =	sdelay $0x1  }
0xeb: {  	v4 =	vadd.s32 v1, v4;
	_ =	sdelay $0x4  }
0xec: {  	[tilespmem:s30], [sflag:$0x3] =	stream.indirect_vreg.gather [hbm4b:s2+s3], $0x80, v4, vm0, $0xb8;
	[tilespmem:$0x18100] =	vst v63  }
0xed: {  	s17 =	simm.s32 $0x8900;
	v3 =	vperm.xlane v3, v2  }
0xee: {  	[tilespmem:s17], [sflag:$0x3] =	stream.indirect_vreg.gather [hbm4b:s5+s3], $0x80, v4, vm0, $0xb8;
	[tilespmem:$0x18100] =	vst v63  }
0xef: {  	s19 =	simm.s32 $0x9100;
	v3 =	vadd.s32 v1, v3  }
0xf0: {  	[tilespmem:s19], [sflag:$0x3] =	stream.indirect_vreg.gather [hbm4b:s6+s3], $0x80, v4, vm0, $0xb8;
	[tilespmem:$0x18100] =	vst v63  }
0xf1: {  	s20 =	simm.s32 $0x9900  }
0xf2: {  	[tilespmem:s20], [sflag:$0x3] =	stream.indirect_vreg.gather [hbm4b:s7+s3], $0x80, v4, vm0, $0xb8;
	[tilespmem:$0x18100] =	vst v63  }
0xf3: {  	s17 =	simm.s32 $0xA100  }
0xf4: {  	[tilespmem:s17], [sflag:$0x3] =	stream.indirect_vreg.gather [hbm4b:s2+s3], $0x80, v3, vm0, $0xb8;
	[tilespmem:$0x18100] =	vst v63  }
0xf5: {  	s19 =	simm.s32 $0xA900  }
0xf6: {  	[tilespmem:s19], [sflag:$0x3] =	stream.indirect_vreg.gather [hbm4b:s5+s3], $0x80, v3, vm0, $0xb8;
	[tilespmem:$0x18100] =	vst v63  }
0xf7: {  	s20 =	simm.s32 $0xB100  }
0xf8: {  	[tilespmem:s20], [sflag:$0x3] =	stream.indirect_vreg.gather [hbm4b:s6+s3], $0x80, v3, vm0, $0xb8;
	[tilespmem:$0x18100] =	vst v63  }
0xf9: {  	s17 =	simm.s32 $0xB900;
	s20 =	simm.s32 $0x5  }
0xfa: {  	[tilespmem:s17], [sflag:$0x3] =	stream.indirect_vreg.gather [hbm4b:s7+s3], $0x80, v3, vm0, $0xb8;
	[tilespmem:$0x18100] =	vst v63  }
0xfb: {  	_ =	swait.ge [sflag:s20], $0x4000  }
0xfc: {  	[sflag:s20] =	ssyncset.done $0x0  }
0xfd: {  	s19 =	rddreg [dreg:$0x8];
	[sflag:s20] =	ssyncadd.s32 $0xFFFFC000  }
0xfe: {  	[hbm4b:s19+s3] =	stream.linear.scatter [tilespmem:s18], [sflag:$0xB], $0x4000, $0x38;
	[tilespmem:$0x18100] =	vst v63  }
0xff: {  	_ =	swait.ge [sflag:s31], $0x4000  }
0x100: {  	[sflag:s31] =	ssyncset.done $0x0  }
0x101: {  	[sflag:s31] =	ssyncadd.s32 $0xFFFFC000  }
0x102: {  	v3 =	vld [tilespmem:$0x90];
	_ =	sdelay $0x4  }
0x103: {  	v57 =	vshll.u32 v3, $0x3  }
0x104: {  	v3 =	vand.u32 $0x7, v3;
	v4 =	vand.u32 $0xFFFFFFC0, v57  }
0x105: {  	v3 =	vor.u32 v3, v4  }
0x106: {  	v4 =	vperm.xlane v3, v0;
	_ =	sdelay $0x1  }
0x107: {  	v4 =	vadd.s32 v1, v4;
	_ =	sdelay $0x4  }
0x108: {  	[tilespmem:s10], [sflag:$0x4] =	stream.indirect_vreg.gather [hbm4b:s2+s3], $0x80, v4, vm0, $0xb8;
	[tilespmem:$0x18100] =	vst v63  }
0x109: {  	s17 =	simm.s32 $0xC900;
	v3 =	vperm.xlane v3, v2  }
0x10a: {  	[tilespmem:s17], [sflag:$0x4] =	stream.indirect_vreg.gather [hbm4b:s5+s3], $0x80, v4, vm0, $0xb8;
	[tilespmem:$0x18100] =	vst v63  }
0x10b: {  	s19 =	simm.s32 $0xD100;
	v3 =	vadd.s32 v1, v3  }
0x10c: {  	[tilespmem:s19], [sflag:$0x4] =	stream.indirect_vreg.gather [hbm4b:s6+s3], $0x80, v4, vm0, $0xb8;
	[tilespmem:$0x18100] =	vst v63  }
0x10d: {  	s17 =	simm.s32 $0xD900  }
0x10e: {  	[tilespmem:s17], [sflag:$0x4] =	stream.indirect_vreg.gather [hbm4b:s7+s3], $0x80, v4, vm0, $0xb8;
	[tilespmem:$0x18100] =	vst v63  }
0x10f: {  	s19 =	simm.s32 $0xE100  }
0x110: {  	[tilespmem:s19], [sflag:$0x4] =	stream.indirect_vreg.gather [hbm4b:s2+s3], $0x80, v3, vm0, $0xb8;
	[tilespmem:$0x18100] =	vst v63  }
0x111: {  	s17 =	simm.s32 $0xE900  }
0x112: {  	[tilespmem:s17], [sflag:$0x4] =	stream.indirect_vreg.gather [hbm4b:s5+s3], $0x80, v3, vm0, $0xb8;
	[tilespmem:$0x18100] =	vst v63  }
0x113: {  	s19 =	simm.s32 $0xF100  }
0x114: {  	[tilespmem:s19], [sflag:$0x4] =	stream.indirect_vreg.gather [hbm4b:s6+s3], $0x80, v3, vm0, $0xb8;
	[tilespmem:$0x18100] =	vst v63  }
0x115: {  	s17 =	simm.s32 $0xF900  }
0x116: {  	[tilespmem:s17], [sflag:$0x4] =	stream.indirect_vreg.gather [hbm4b:s7+s3], $0x80, v3, vm0, $0xb8;
	[tilespmem:$0x18100] =	vst v63  }
0x117: {  	s17 =	simm.s32 $0x6  }
0x118: {  	_ =	swait.ge [sflag:s17], $0x4000  }
0x119: {  	[sflag:s17] =	ssyncset.done $0x0  }
0x11a: {  	s19 =	rddreg [dreg:$0x9];
	[sflag:s17] =	ssyncadd.s32 $0xFFFFC000  }
0x11b: {  	[hbm4b:s19+s3] =	stream.linear.scatter [tilespmem:s12], [sflag:$0xC], $0x4000, $0x38;
	[tilespmem:$0x18100] =	vst v63  }
0x11c: {  	s19 =	simm.s32 $0xB  }
0x11d: {  	_ =	swait.ge [sflag:s19], $0x4000  }
0x11e: {  	[sflag:s19] =	ssyncset.done $0x0  }
0x11f: {  	[sflag:s19] =	ssyncadd.s32 $0xFFFFC000  }
0x120: {  	v3 =	vld [tilespmem:$0xA0];
	_ =	sdelay $0x4  }
0x121: {  	v58 =	vshll.u32 v3, $0x3  }
0x122: {  	v3 =	vand.u32 $0x7, v3;
	v4 =	vand.u32 $0xFFFFFFC0, v58  }
0x123: {  	v3 =	vor.u32 v3, v4  }
0x124: {  	v4 =	vperm.xlane v3, v0;
	_ =	sdelay $0x1  }
0x125: {  	v4 =	vadd.s32 v1, v4;
	_ =	sdelay $0x4  }
0x126: {  	[tilespmem:s18], [sflag:$0x5] =	stream.indirect_vreg.gather [hbm4b:s2+s3], $0x80, v4, vm0, $0xb8;
	[tilespmem:$0x18100] =	vst v63  }
0x127: {  	v3 =	vperm.xlane v3, v2  }
0x128: {  	[tilespmem:s21], [sflag:$0x5] =	stream.indirect_vreg.gather [hbm4b:s5+s3], $0x80, v4, vm0, $0xb8;
	[tilespmem:$0x18100] =	vst v63  }
0x129: {  	v3 =	vadd.s32 v1, v3  }
0x12a: {  	[tilespmem:s9], [sflag:$0x5] =	stream.indirect_vreg.gather [hbm4b:s6+s3], $0x80, v4, vm0, $0xb8;
	[tilespmem:$0x18100] =	vst v63  }
0x12b: {  	_ = 	snop  }
0x12c: {  	[tilespmem:s1], [sflag:$0x5] =	stream.indirect_vreg.gather [hbm4b:s7+s3], $0x80, v4, vm0, $0xb8;
	[tilespmem:$0x18100] =	vst v63  }
0x12d: {  	_ = 	snop  }
0x12e: {  	[tilespmem:s4], [sflag:$0x5] =	stream.indirect_vreg.gather [hbm4b:s2+s3], $0x80, v3, vm0, $0xb8;
	[tilespmem:$0x18100] =	vst v63  }
0x12f: {  	_ = 	snop  }
0x130: {  	[tilespmem:s13], [sflag:$0x5] =	stream.indirect_vreg.gather [hbm4b:s5+s3], $0x80, v3, vm0, $0xb8;
	[tilespmem:$0x18100] =	vst v63  }
0x131: {  	_ = 	snop  }
0x132: {  	[tilespmem:s14], [sflag:$0x5] =	stream.indirect_vreg.gather [hbm4b:s6+s3], $0x80, v3, vm0, $0xb8;
	[tilespmem:$0x18100] =	vst v63  }
0x133: {  	_ = 	snop  }
0x134: {  	[tilespmem:s15], [sflag:$0x5] =	stream.indirect_vreg.gather [hbm4b:s7+s3], $0x80, v3, vm0, $0xb8;
	[tilespmem:$0x18100] =	vst v63  }
0x135: {  	_ =	swait.ge [sflag:s16], $0x4000  }
0x136: {  	[sflag:s16] =	ssyncset.done $0x0  }
0x137: {  	s1 =	simm.s32 $0xC;
	s4 =	rddreg [dreg:$0xa];
	[sflag:s16] =	ssyncadd.s32 $0xFFFFC000  }
0x138: {  	[hbm4b:s4+s3] =	stream.linear.scatter [tilespmem:s0], [sflag:$0x7], $0x4000, $0x38;
	[tilespmem:$0x18100] =	vst v63  }
0x139: {  	_ =	swait.ge [sflag:s1], $0x4000  }
0x13a: {  	[sflag:s1] =	ssyncset.done $0x0  }
0x13b: {  	[sflag:s1] =	ssyncadd.s32 $0xFFFFC000  }
0x13c: {  	v3 =	vld [tilespmem:$0xB0];
	_ =	sdelay $0x4  }
0x13d: {  	v59 =	vshll.u32 v3, $0x3  }
0x13e: {  	v3 =	vand.u32 $0x7, v3;
	v4 =	vand.u32 $0xFFFFFFC0, v59  }
0x13f: {  	v3 =	vor.u32 v3, v4  }
0x140: {  	v4 =	vperm.xlane v3, v0;
	_ =	sdelay $0x1  }
0x141: {  	v4 =	vadd.s32 v1, v4;
	_ =	sdelay $0x4  }
0x142: {  	[tilespmem:s12], [sflag:$0x6] =	stream.indirect_vreg.gather [hbm4b:s2+s3], $0x80, v4, vm0, $0xb8;
	[tilespmem:$0x18100] =	vst v63  }
0x143: {  	s11 =	simm.s32 $0x14900;
	v3 =	vperm.xlane v3, v2  }
0x144: {  	[tilespmem:s11], [sflag:$0x6] =	stream.indirect_vreg.gather [hbm4b:s5+s3], $0x80, v4, vm0, $0xb8;
	[tilespmem:$0x18100] =	vst v63  }
0x145: {  	v3 =	vadd.s32 v1, v3;
	s11 =	simm.s32 $0x15100  }
0x146: {  	[tilespmem:s11], [sflag:$0x6] =	stream.indirect_vreg.gather [hbm4b:s6+s3], $0x80, v4, vm0, $0xb8;
	[tilespmem:$0x18100] =	vst v63  }
0x147: {  	s11 =	simm.s32 $0x15900  }
0x148: {  	[tilespmem:s11], [sflag:$0x6] =	stream.indirect_vreg.gather [hbm4b:s7+s3], $0x80, v4, vm0, $0xb8;
	[tilespmem:$0x18100] =	vst v63  }
0x149: {  	s11 =	simm.s32 $0x16100  }
0x14a: {  	[tilespmem:s11], [sflag:$0x6] =	stream.indirect_vreg.gather [hbm4b:s2+s3], $0x80, v3, vm0, $0xb8;
	[tilespmem:$0x18100] =	vst v63  }
0x14b: {  	s11 =	simm.s32 $0x16900  }
0x14c: {  	[tilespmem:s11], [sflag:$0x6] =	stream.indirect_vreg.gather [hbm4b:s5+s3], $0x80, v3, vm0, $0xb8;
	[tilespmem:$0x18100] =	vst v63  }
0x14d: {  	s11 =	simm.s32 $0x17100  }
0x14e: {  	[tilespmem:s11], [sflag:$0x6] =	stream.indirect_vreg.gather [hbm4b:s6+s3], $0x80, v3, vm0, $0xb8;
	[tilespmem:$0x18100] =	vst v63  }
0x14f: {  	s11 =	simm.s32 $0x17900  }
0x150: {  	[tilespmem:s11], [sflag:$0x6] =	stream.indirect_vreg.gather [hbm4b:s7+s3], $0x80, v3, vm0, $0xb8;
	[tilespmem:$0x18100] =	vst v63  }
0x151: {  	_ =	swait.ge [sflag:s22], $0x4000  }
0x152: {  	[sflag:s22] =	ssyncset.done $0x0  }
0x153: {  	s4 =	rddreg [dreg:$0xb];
	[sflag:s22] =	ssyncadd.s32 $0xFFFFC000  }
0x154: {  	[hbm4b:s4+s3] =	stream.linear.scatter [tilespmem:s26], [sflag:$0x8], $0x4000, $0x38;
	[tilespmem:$0x18100] =	vst v63  }
0x155: {  	_ =	swait.ge [sflag:s23], $0x4000  }
0x156: {  	[sflag:s23] =	ssyncset.done $0x0  }
0x157: {  	[sflag:s23] =	ssyncadd.s32 $0xFFFFC000  }
0x158: {  	v3 =	vld [tilespmem:$0xC0];
	_ =	sdelay $0x4  }
0x159: {  	v60 =	vshll.u32 v3, $0x3  }
0x15a: {  	v3 =	vand.u32 $0x7, v3;
	v4 =	vand.u32 $0xFFFFFFC0, v60  }
0x15b: {  	v3 =	vor.u32 v3, v4  }
0x15c: {  	v4 =	vperm.xlane v3, v0;
	_ =	sdelay $0x1  }
0x15d: {  	v4 =	vadd.s32 v1, v4;
	_ =	sdelay $0x4  }
0x15e: {  	[tilespmem:s0], [sflag:$0x1] =	stream.indirect_vreg.gather [hbm4b:s2+s3], $0x80, v4, vm0, $0xb8;
	[tilespmem:$0x18100] =	vst v63  }
0x15f: {  	s11 =	simm.s32 $0x900;
	v3 =	vperm.xlane v3, v2  }
0x160: {  	[tilespmem:s11], [sflag:$0x1] =	stream.indirect_vreg.gather [hbm4b:s5+s3], $0x80, v4, vm0, $0xb8;
	[tilespmem:$0x18100] =	vst v63  }
0x161: {  	v3 =	vadd.s32 v1, v3;
	s11 =	simm.s32 $0x1100  }
0x162: {  	[tilespmem:s11], [sflag:$0x1] =	stream.indirect_vreg.gather [hbm4b:s6+s3], $0x80, v4, vm0, $0xb8;
	[tilespmem:$0x18100] =	vst v63  }
0x163: {  	s11 =	simm.s32 $0x1900  }
0x164: {  	[tilespmem:s11], [sflag:$0x1] =	stream.indirect_vreg.gather [hbm4b:s7+s3], $0x80, v4, vm0, $0xb8;
	[tilespmem:$0x18100] =	vst v63  }
0x165: {  	s11 =	simm.s32 $0x2100  }
0x166: {  	[tilespmem:s11], [sflag:$0x1] =	stream.indirect_vreg.gather [hbm4b:s2+s3], $0x80, v3, vm0, $0xb8;
	[tilespmem:$0x18100] =	vst v63  }
0x167: {  	s11 =	simm.s32 $0x2900  }
0x168: {  	[tilespmem:s11], [sflag:$0x1] =	stream.indirect_vreg.gather [hbm4b:s5+s3], $0x80, v3, vm0, $0xb8;
	[tilespmem:$0x18100] =	vst v63  }
0x169: {  	s11 =	simm.s32 $0x3100  }
0x16a: {  	[tilespmem:s11], [sflag:$0x1] =	stream.indirect_vreg.gather [hbm4b:s6+s3], $0x80, v3, vm0, $0xb8;
	[tilespmem:$0x18100] =	vst v63  }
0x16b: {  	s11 =	simm.s32 $0x3900  }
0x16c: {  	[tilespmem:s11], [sflag:$0x1] =	stream.indirect_vreg.gather [hbm4b:s7+s3], $0x80, v3, vm0, $0xb8;
	[tilespmem:$0x18100] =	vst v63  }
0x16d: {  	_ =	swait.ge [sflag:s24], $0x4000  }
0x16e: {  	[sflag:s24] =	ssyncset.done $0x0  }
0x16f: {  	s4 =	rddreg [dreg:$0xc];
	[sflag:s24] =	ssyncadd.s32 $0xFFFFC000  }
0x170: {  	[hbm4b:s4+s3] =	stream.linear.scatter [tilespmem:s30], [sflag:$0x9], $0x4000, $0x38;
	[tilespmem:$0x18100] =	vst v63  }
0x171: {  	_ =	swait.ge [sflag:s25], $0x4000  }
0x172: {  	[sflag:s25] =	ssyncset.done $0x0  }
0x173: {  	[sflag:s25] =	ssyncadd.s32 $0xFFFFC000  }
0x174: {  	v3 =	vld [tilespmem:$0xD0];
	_ =	sdelay $0x4  }
0x175: {  	v61 =	vshll.u32 v3, $0x3  }
0x176: {  	v3 =	vand.u32 $0x7, v3;
	v4 =	vand.u32 $0xFFFFFFC0, v61  }
0x177: {  	v3 =	vor.u32 v3, v4  }
0x178: {  	v4 =	vperm.xlane v3, v0;
	_ =	sdelay $0x1  }
0x179: {  	v4 =	vadd.s32 v1, v4;
	_ =	sdelay $0x4  }
0x17a: {  	[tilespmem:s26], [sflag:$0x2] =	stream.indirect_vreg.gather [hbm4b:s2+s3], $0x80, v4, vm0, $0xb8;
	[tilespmem:$0x18100] =	vst v63  }
0x17b: {  	s11 =	simm.s32 $0x4900;
	v3 =	vperm.xlane v3, v2  }
0x17c: {  	[tilespmem:s11], [sflag:$0x2] =	stream.indirect_vreg.gather [hbm4b:s5+s3], $0x80, v4, vm0, $0xb8;
	[tilespmem:$0x18100] =	vst v63  }
0x17d: {  	v3 =	vadd.s32 v1, v3;
	s11 =	simm.s32 $0x5100  }
0x17e: {  	[tilespmem:s11], [sflag:$0x2] =	stream.indirect_vreg.gather [hbm4b:s6+s3], $0x80, v4, vm0, $0xb8;
	[tilespmem:$0x18100] =	vst v63  }
0x17f: {  	s11 =	simm.s32 $0x5900  }
0x180: {  	[tilespmem:s11], [sflag:$0x2] =	stream.indirect_vreg.gather [hbm4b:s7+s3], $0x80, v4, vm0, $0xb8;
	[tilespmem:$0x18100] =	vst v63  }
0x181: {  	s11 =	simm.s32 $0x6100  }
0x182: {  	[tilespmem:s11], [sflag:$0x2] =	stream.indirect_vreg.gather [hbm4b:s2+s3], $0x80, v3, vm0, $0xb8;
	[tilespmem:$0x18100] =	vst v63  }
0x183: {  	s11 =	simm.s32 $0x6900  }
0x184: {  	[tilespmem:s11], [sflag:$0x2] =	stream.indirect_vreg.gather [hbm4b:s5+s3], $0x80, v3, vm0, $0xb8;
	[tilespmem:$0x18100] =	vst v63  }
0x185: {  	s11 =	simm.s32 $0x7100  }
0x186: {  	[tilespmem:s11], [sflag:$0x2] =	stream.indirect_vreg.gather [hbm4b:s6+s3], $0x80, v3, vm0, $0xb8;
	[tilespmem:$0x18100] =	vst v63  }
0x187: {  	s11 =	simm.s32 $0x7900  }
0x188: {  	[tilespmem:s11], [sflag:$0x2] =	stream.indirect_vreg.gather [hbm4b:s7+s3], $0x80, v3, vm0, $0xb8;
	[tilespmem:$0x18100] =	vst v63  }
0x189: {  	_ =	swait.ge [sflag:s28], $0x4000  }
0x18a: {  	[sflag:s28] =	ssyncset.done $0x0  }
0x18b: {  	s4 =	rddreg [dreg:$0xd];
	[sflag:s28] =	ssyncadd.s32 $0xFFFFC000  }
0x18c: {  	[hbm4b:s4+s3] =	stream.linear.scatter [tilespmem:s10], [sflag:$0xA], $0x4000, $0x38;
	[tilespmem:$0x18100] =	vst v63  }
0x18d: {  	_ =	swait.ge [sflag:s29], $0x4000  }
0x18e: {  	[sflag:s29] =	ssyncset.done $0x0  }
0x18f: {  	[sflag:s29] =	ssyncadd.s32 $0xFFFFC000  }
0x190: {  	v3 =	vld [tilespmem:$0xE0];
	_ =	sdelay $0x4  }
0x191: {  	v62 =	vshll.u32 v3, $0x3  }
0x192: {  	v3 =	vand.u32 $0x7, v3;
	v4 =	vand.u32 $0xFFFFFFC0, v62  }
0x193: {  	v3 =	vor.u32 v3, v4  }
0x194: {  	v4 =	vperm.xlane v3, v0;
	_ =	sdelay $0x1  }
0x195: {  	v4 =	vadd.s32 v1, v4;
	_ =	sdelay $0x4  }
0x196: {  	[tilespmem:s30], [sflag:$0x3] =	stream.indirect_vreg.gather [hbm4b:s2+s3], $0x80, v4, vm0, $0xb8;
	[tilespmem:$0x18100] =	vst v63  }
0x197: {  	s11 =	simm.s32 $0x8900;
	v3 =	vperm.xlane v3, v2  }
0x198: {  	[tilespmem:s11], [sflag:$0x3] =	stream.indirect_vreg.gather [hbm4b:s5+s3], $0x80, v4, vm0, $0xb8;
	[tilespmem:$0x18100] =	vst v63  }
0x199: {  	v3 =	vadd.s32 v1, v3;
	s11 =	simm.s32 $0x9100  }
0x19a: {  	[tilespmem:s11], [sflag:$0x3] =	stream.indirect_vreg.gather [hbm4b:s6+s3], $0x80, v4, vm0, $0xb8;
	[tilespmem:$0x18100] =	vst v63  }
0x19b: {  	s11 =	simm.s32 $0x9900  }
0x19c: {  	[tilespmem:s11], [sflag:$0x3] =	stream.indirect_vreg.gather [hbm4b:s7+s3], $0x80, v4, vm0, $0xb8;
	[tilespmem:$0x18100] =	vst v63  }
0x19d: {  	s11 =	simm.s32 $0xA100  }
0x19e: {  	[tilespmem:s11], [sflag:$0x3] =	stream.indirect_vreg.gather [hbm4b:s2+s3], $0x80, v3, vm0, $0xb8;
	[tilespmem:$0x18100] =	vst v63  }
0x19f: {  	s11 =	simm.s32 $0xA900  }
0x1a0: {  	[tilespmem:s11], [sflag:$0x3] =	stream.indirect_vreg.gather [hbm4b:s5+s3], $0x80, v3, vm0, $0xb8;
	[tilespmem:$0x18100] =	vst v63  }
0x1a1: {  	s11 =	simm.s32 $0xB100  }
0x1a2: {  	[tilespmem:s11], [sflag:$0x3] =	stream.indirect_vreg.gather [hbm4b:s6+s3], $0x80, v3, vm0, $0xb8;
	[tilespmem:$0x18100] =	vst v63  }
0x1a3: {  	s11 =	simm.s32 $0xB900  }
0x1a4: {  	[tilespmem:s11], [sflag:$0x3] =	stream.indirect_vreg.gather [hbm4b:s7+s3], $0x80, v3, vm0, $0xb8;
	[tilespmem:$0x18100] =	vst v63  }
0x1a5: {  	_ =	swait.ge [sflag:s20], $0x4000  }
0x1a6: {  	[sflag:s20] =	ssyncset.done $0x0  }
0x1a7: {  	s4 =	rddreg [dreg:$0xe];
	[sflag:s20] =	ssyncadd.s32 $0xFFFFC000  }
0x1a8: {  	[hbm4b:s4+s3] =	stream.linear.scatter [tilespmem:s18], [sflag:$0xB], $0x4000, $0x38;
	[tilespmem:$0x18100] =	vst v63  }
0x1a9: {  	_ =	swait.ge [sflag:s31], $0x4000  }
0x1aa: {  	[sflag:s31] =	ssyncset.done $0x0  }
0x1ab: {  	[sflag:s31] =	ssyncadd.s32 $0xFFFFC000  }
0x1ac: {  	v3 =	vld [tilespmem:$0xF0];
	_ =	sdelay $0x4  }
0x1ad: {  	v63 =	vshll.u32 v3, $0x3  }
0x1ae: {  	v3 =	vand.u32 $0x7, v3;
	v4 =	vand.u32 $0xFFFFFFC0, v63  }
0x1af: {  	v3 =	vor.u32 v3, v4  }
0x1b0: {  	v4 =	vperm.xlane v3, v0;
	_ =	sdelay $0x1  }
0x1b1: {  	v4 =	vadd.s32 v1, v4;
	_ =	sdelay $0x4  }
0x1b2: {  	[tilespmem:s10], [sflag:$0x4] =	stream.indirect_vreg.gather [hbm4b:s2+s3], $0x80, v4, vm0, $0xb8;
	[tilespmem:$0x18100] =	vst v63  }
0x1b3: {  	s11 =	simm.s32 $0xC900;
	v3 =	vperm.xlane v3, v2  }
0x1b4: {  	[tilespmem:s11], [sflag:$0x4] =	stream.indirect_vreg.gather [hbm4b:s5+s3], $0x80, v4, vm0, $0xb8;
	[tilespmem:$0x18100] =	vst v63  }
0x1b5: {  	s20 =	simm.s32 $0xD100;
	v3 =	vadd.s32 v1, v3  }
0x1b6: {  	[tilespmem:s20], [sflag:$0x4] =	stream.indirect_vreg.gather [hbm4b:s6+s3], $0x80, v4, vm0, $0xb8;
	[tilespmem:$0x18100] =	vst v63  }
0x1b7: {  	s11 =	simm.s32 $0xD900  }
0x1b8: {  	[tilespmem:s11], [sflag:$0x4] =	stream.indirect_vreg.gather [hbm4b:s7+s3], $0x80, v4, vm0, $0xb8;
	[tilespmem:$0x18100] =	vst v63  }
0x1b9: {  	s20 =	simm.s32 $0xE100  }
0x1ba: {  	[tilespmem:s20], [sflag:$0x4] =	stream.indirect_vreg.gather [hbm4b:s2+s3], $0x80, v3, vm0, $0xb8;
	[tilespmem:$0x18100] =	vst v63  }
0x1bb: {  	s11 =	simm.s32 $0xE900  }
0x1bc: {  	[tilespmem:s11], [sflag:$0x4] =	stream.indirect_vreg.gather [hbm4b:s5+s3], $0x80, v3, vm0, $0xb8;
	[tilespmem:$0x18100] =	vst v63  }
0x1bd: {  	s20 =	simm.s32 $0xF100  }
0x1be: {  	[tilespmem:s20], [sflag:$0x4] =	stream.indirect_vreg.gather [hbm4b:s6+s3], $0x80, v3, vm0, $0xb8;
	[tilespmem:$0x18100] =	vst v63  }
0x1bf: {  	s11 =	simm.s32 $0xF900  }
0x1c0: {  	[tilespmem:s11], [sflag:$0x4] =	stream.indirect_vreg.gather [hbm4b:s7+s3], $0x80, v3, vm0, $0xb8;
	[tilespmem:$0x18100] =	vst v63  }
0x1c1: {  	_ =	swait.ge [sflag:s17], $0x4000  }
0x1c2: {  	[sflag:s17] =	ssyncset.done $0x0  }
0x1c3: {  	s20 =	rddreg [dreg:$0xf];
	[sflag:s17] =	ssyncadd.s32 $0xFFFFC000  }
0x1c4: {  	[hbm4b:s20+s3] =	stream.linear.scatter [tilespmem:s12], [sflag:$0xC], $0x4000, $0x38;
	[tilespmem:$0x18100] =	vst v63  }
0x1c5: {  	_ =	swait.ge [sflag:s16], $0x4000  }
0x1c6: {  	[sflag:s16] =	ssyncset.done $0x0  }
0x1c7: {  	s4 =	rddreg [dreg:$0x10];
	[sflag:s16] =	ssyncadd.s32 $0xFFFFC000  }
0x1c8: {  	[hbm4b:s4+s3] =	stream.linear.scatter [tilespmem:s0], [sflag:$0x7], $0x4000, $0x38;
	[tilespmem:$0x18100] =	vst v63  }
0x1c9: {  	_ =	swait.ge [sflag:s22], $0x4000  }
0x1ca: {  	[sflag:s22] =	ssyncset.done $0x0  }
0x1cb: {  	s12 =	rddreg [dreg:$0x11];
	[sflag:s22] =	ssyncadd.s32 $0xFFFFC000  }
0x1cc: {  	[hbm4b:s12+s3] =	stream.linear.scatter [tilespmem:s26], [sflag:$0x8], $0x4000, $0x38;
	[tilespmem:$0x18100] =	vst v63  }
0x1cd: {  	_ =	swait.ge [sflag:s24], $0x4000  }
0x1ce: {  	[sflag:s24] =	ssyncset.done $0x0  }
0x1cf: {  	s17 =	rddreg [dreg:$0x12];
	[sflag:s24] =	ssyncadd.s32 $0xFFFFC000  }
0x1d0: {  	[hbm4b:s17+s3] =	stream.linear.scatter [tilespmem:s30], [sflag:$0x9], $0x4000, $0x38;
	[tilespmem:$0x18100] =	vst v63  }
0x1d1: {  	_ =	swait.ge [sflag:s28], $0x4000  }
0x1d2: {  	[sflag:s28] =	ssyncset.done $0x0  }
0x1d3: {  	s20 =	rddreg [dreg:$0x13];
	[sflag:s28] =	ssyncadd.s32 $0xFFFFC000  }
0x1d4: {  	[hbm4b:s20+s3] =	stream.linear.scatter [tilespmem:s10], [sflag:$0xA], $0x4000, $0x38;
	[tilespmem:$0x18100] =	vst v63  }
0x1d5: {  	_ =	swait.ge [sflag:s19], $0x4000  }
0x1d6: {  	[sflag:s19] =	ssyncset.done $0x0  }
0x1d7: {  	[sflag:s19] =	ssyncadd.s32 $0xFFFFC000  }
0x1d8: {  	_ =	swait.ge [sflag:s1], $0x4000  }
0x1d9: {  	[sflag:s1] =	ssyncset.done $0x0  }
0x1da: {  	[sflag:s1] =	ssyncadd.s32 $0xFFFFC000  }
0x1db: {  	_ =	swait.ge [sflag:s23], $0x4000  }
0x1dc: {  	[sflag:s23] =	ssyncset.done $0x0  }
0x1dd: {  	[sflag:s23] =	ssyncadd.s32 $0xFFFFC000  }
0x1de: {  	_ =	swait.ge [sflag:s25], $0x4000  }
0x1df: {  	[sflag:s25] =	ssyncset.done $0x0  }
0x1e0: {  	[sflag:s25] =	ssyncadd.s32 $0xFFFFC000  }
0x1e1: {  	p0 =	sne.s32 s8, $0x1;
	_ =	swait.ge [sflag:s29], $0x4000  }
.Ltmp0:
0x1e2: {  	[sflag:s29] =	ssyncset.done $0x0;
	(pc) =	sbr.rel @p0 .LBB2_1-.Ltmp0, $4  }
0x1e3: {  	[sflag:s29] =	ssyncadd.s32 $0xFFFFC000  }
0x1e4: {  	_ =	swait.ge [sflag:s31], $0x4000  }
0x1e5: {  	[sflag:s31] =	ssyncset.done $0x0  }
0x1e6: {  	s8 =	sadd.s32 $0xFFFFFFFF, s8;
	[sflag:s31] =	ssyncadd.s32 $0xFFFFC000  }
0x1e7: {  	_ =	sfence.sel $0x180000  }
0x1e8: {  	[bflag:$0x0] =	sbarrier.arrive $0xFFFF  }
0x1e9: {  	_ =	strace $0x90000047  }
0x1ea: {  	s0 =	stileid.u32;
	[bflag:$0x2] =	sbarrier.arrive $0xFFFF  }
0x1eb: {  	p0 =	sne.s32 s0, $0x0;
	s0 =	rddreg [dreg:$0x3]  }
0x1ec: {  	s0 =	sadd.s32 @!p0 $0x100000, s0  }
0x1ed: {  	[sflag:s0] =	ssyncadd.tile.s32 @!p0 $0x1;
	_ =	shalt  }
.Lfunc_end2:
_tile_overlayer_lowered:
.L_overlay_start_2:
0x1ee: {  	(tag) =	ssettag $0x2  }
0x1ef: {  	s0 =	rddreg [dreg:$0x0];
	s2 =	stileid.u32  }
0x1f0: {  	s1 =	rddreg [dreg:$0x1];
	p0 =	sne.s32 s2, $0x0  }
0x1f1: {  	s3 =	rddreg [dreg:$0x2];
	[bflag:$0x3] =	sbarrier.arrive $0xFFFF;
	s2 =	simm.s32 @!p0 $0x1C0D  }
0x1f2: {  	[timem:s3], [sflag:s2] =	dma.local @!p0 [hbm:s0], s1  }
0x1f3: {  	s0 =	simm.s32 @!p0 $0xD  }
0x1f4: {  	_ =	swait.ge @!p0 [sflag:s0], s1  }
0x1f5: {  	s1 =	ssub.s32 @!p0 $0x0, s1;
	[sflag:s0] =	ssyncset.done @!p0 $0x0  }
0x1f6: {  	[sflag:s0] =	ssyncadd.s32 @!p0 s1  }
0x1f7: {  	[bflag:$0x3] =	sbarrier.arrive $0xFFFF  }
0x1f8: {  	_ =	shalt  }

</sc_bundles>
